<compile_context>
chip_gen: v7x
topology: tpu7x:2x2x1
jax: 0.10.2.dev20260603
libtpu: 0.0.44.dev20260713+nightly
codegen_flags: <defaults>
</compile_context>

<pallas_src>
import functools

import jax
import jax.numpy as jnp
from jax import lax
from jax.experimental import pallas as pl
from jax.experimental.pallas import tpu as pltpu
from jax.experimental.pallas import tpu_sc as plsc

_BATCH = 4096
_FIELDS = 26
_DIM = 16
_NC = 2
_NS = 16
_NW = _NC * _NS
_ROWS_PER_W = _BATCH // _NW
_IDX_PER_W = _ROWS_PER_W * _FIELDS
_GROUPS = _ROWS_PER_W // 16


def _lr_body(idx_hbm, table_hbm, out_hbm, idx_v, vals_v, sums_v, sem):
    wid = lax.axis_index("s") * _NC + lax.axis_index("c")
    pltpu.sync_copy(idx_hbm.at[:, pl.ds(wid * _ROWS_PER_W, _ROWS_PER_W)], idx_v)
    copies = [
        pltpu.async_copy(
            table_hbm.at[idx_v.at[j]],
            vals_v.at[pl.ds(j * 128, 128)],
            sem,
        )
        for j in range(_FIELDS)
    ]
    for c in copies:
        c.wait()
    for g in range(_GROUPS):
        acc = vals_v[pl.ds(g * 16, 16)]
        for f in range(1, _FIELDS):
            acc = acc + vals_v[pl.ds(f * 128 + g * 16, 16)]
        sums_v[pl.ds(g * 16, 16)] = acc
    pltpu.sync_copy(sums_v, out_hbm.at[pl.ds(wid * _ROWS_PER_W, _ROWS_PER_W)])


_lr_call = functools.partial(
    pl.kernel,
    mesh=plsc.VectorSubcoreMesh(core_axis_name="c", subcore_axis_name="s"),
    out_type=jax.ShapeDtypeStruct((_BATCH,), jnp.float32),
    scratch_types=[
        pltpu.VMEM((_FIELDS, _ROWS_PER_W), jnp.int32),
        pltpu.VMEM((_IDX_PER_W,), jnp.float32),
        pltpu.VMEM((_ROWS_PER_W,), jnp.float32),
        pltpu.SemaphoreType.DMA,
    ],
)(_lr_body)


_FB = _FIELDS * _DIM
_BB = 1024


def _fm_body(x_ref, o_ref):
    x = x_ref[...]
    s = x[0:_DIM, :]
    for f in range(1, _FIELDS):
        s = s + x[f * _DIM:(f + 1) * _DIM, :]
    sq_of_sum = jnp.sum(s * s, axis=0, keepdims=True)
    sum_of_sq = jnp.sum(x * x, axis=0, keepdims=True)
    o_ref[...] = 0.5 * (sq_of_sum - sum_of_sq)


_fm_call = pl.pallas_call(
    _fm_body,
    grid=(_BATCH // _BB,),
    in_specs=[pl.BlockSpec((_FB, _BB), lambda i: (0, i))],
    out_specs=pl.BlockSpec((1, _BB), lambda i: (0, i)),
    out_shape=jax.ShapeDtypeStruct((1, _BATCH), jnp.float32),
)


def kernel(X, feature_emb, lr_table, bias):
    idx = X.astype(jnp.int32).T
    table = lr_table.reshape(-1)
    lr_sums = _lr_call(idx, table)
    fm = _fm_call(feature_emb.transpose(1, 2, 0).reshape(_FB, _BATCH))
    return (fm[0] + lr_sums + bias[0])[:, None]

# --- scband reference (transcript-rebuilt; emitter-appended) ---
"""Pipeline reference for scband-fm-layer-32530082299939 (READ-ONLY COPY).

The authoritative reference and input builder live on the scoring server;
editing this copy changes nothing except your own understanding.
"""

import jax, jax.numpy as jnp
import numpy as np

VOCAB = 1000000
BATCH = 4096
FIELDS = 26
EMBED_DIM = 16


def setup_inputs(seed: int = 0) -> dict:
    key = jax.random.key(seed)
    k1, k2, k3 = jax.random.split(key, 3)
    X = jax.random.randint(k1, (BATCH, FIELDS), 0, VOCAB, dtype=jnp.int64)
    feature_emb = jax.random.normal(k2, (BATCH, FIELDS, EMBED_DIM), dtype=jnp.float32)
    lr_table = jax.random.normal(k3, (VOCAB, 1), dtype=jnp.float32) * 0.01
    bias = jnp.zeros((1,), dtype=jnp.float32)
    return {"X": X, "feature_emb": feature_emb, "lr_table": lr_table, "bias": bias}


def reference(X, feature_emb, lr_table, bias):
    # LR_Layer: embedding lookup with embedding_dim=1, sum over fields, add bias
    embed_weights = jnp.take(lr_table, X, axis=0)        # [B, F, 1]
    lr_out = embed_weights.sum(axis=-2)                   # [B, 1]
    lr_out = lr_out + bias
    # InnerProductLayer with output='product_sum_pooling':
    # sum_{i<j} <e_i, e_j> = 0.5 * ((sum_i e_i)^2 - sum_i e_i^2), summed over embed dim
    sum_of_emb = feature_emb.sum(axis=1)                  # [B, D]
    square_of_sum = sum_of_emb * sum_of_emb               # [B, D]
    sum_of_square = (feature_emb * feature_emb).sum(axis=1)  # [B, D]
    dot_sum = 0.5 * (square_of_sum - sum_of_square).sum(axis=-1, keepdims=True)  # [B, 1]
    output = dot_sum + lr_out                             # [B, 1]
    return output

if __name__ == "__main__":
    import jax
    _d = setup_inputs()
    print(jax.jit(kernel)(*tuple(_d.values())))

</pallas_src>

<mosaic_0001>
#map = affine_map<(d0, d1) -> (0, 0)>
#map1 = affine_map<(d0, d1) -> (0)>
module attributes {stable_mosaic.version = 14 : i64} {
  func.func @_lr_body(%arg0: i32, %arg1: i32, %arg2: memref<26x4096xi32, #tpu.memory_space<hbm>>, %arg3: memref<1000000xf32, #tpu.memory_space<hbm>>, %arg4: memref<4096xf32, #tpu.memory_space<hbm>>, %arg5: memref<26x128xi32, #tpu.memory_space<vmem>>, %arg6: memref<3328xf32, #tpu.memory_space<vmem>>, %arg7: memref<128xf32, #tpu.memory_space<vmem>>, %arg8: memref<!tpu.dma_semaphore, #tpu.memory_space<semaphore_mem>>) attributes {dimension_semantics = [#tpu.dimension_semantics<core_parallel>, #tpu.dimension_semantics<subcore_parallel>], iteration_bounds = array<i64: 2, 16>, scalar_prefetch = 0 : i64, scratch_operands = 4 : i64, tpu.core_type = #tpu.core_type<sc_vector_subcore>, window_params = [{transform_indices = #map}, {transform_indices = #map1}, {transform_indices = #map1}]} {
    %mul3A = arith.constant 2 : i32
    %mul3A_0 = arith.muli %arg1, %mul3A : i32
    %add3A = arith.addi %mul3A_0, %arg0 : i32
    %mul3A_1 = arith.constant 128 : i32
    %mul3A_2 = arith.muli %add3A, %mul3A_1 : i32
    "tpu.region"() ({
      %run_scoped3A = tpu.sem_alloc : memref<!tpu.dma_semaphore, #tpu.memory_space<semaphore_mem>>
      %dma_start3A_1273 = arith.constant 0 : i32
      %dma_start3A_1274 = tpu.memref_slice %arg2[%dma_start3A_1273, %mul3A_2] : memref<26x4096xi32, #tpu.memory_space<hbm>> -> memref<26x128xi32, #tpu.memory_space<hbm>>
      %dma_start3A_1275 = arith.constant 0 : i32
      %dma_start3A_1276 = tpu.memref_slice %arg2[%dma_start3A_1275, %mul3A_2] : memref<26x4096xi32, #tpu.memory_space<hbm>> -> memref<26x128xi32, #tpu.memory_space<hbm>>
      tpu.enqueue_dma source(%dma_start3A_1276 : memref<26x128xi32, #tpu.memory_space<hbm>>) target(%arg5 : memref<26x128xi32, #tpu.memory_space<vmem>>) target_semaphore(%run_scoped3A : memref<!tpu.dma_semaphore, #tpu.memory_space<semaphore_mem>>)
      %dma_wait3A_1277 = arith.constant 0 : i32
      %dma_wait3A_1278 = tpu.memref_slice %arg2[%dma_wait3A_1277, %mul3A_2] : memref<26x4096xi32, #tpu.memory_space<hbm>> -> memref<26x128xi32, #tpu.memory_space<hbm>>
      %dma_wait3A_1279 = arith.constant 0 : i32
      %dma_wait3A_1280 = tpu.memref_slice %arg2[%dma_wait3A_1279, %mul3A_2] : memref<26x4096xi32, #tpu.memory_space<hbm>> -> memref<26x128xi32, #tpu.memory_space<hbm>>
      tpu.wait_dma2 semaphore(%run_scoped3A : memref<!tpu.dma_semaphore, #tpu.memory_space<semaphore_mem>>) src(%dma_wait3A_1280 : memref<26x128xi32, #tpu.memory_space<hbm>>) dst(%arg5 : memref<26x128xi32, #tpu.memory_space<vmem>>)
      tpu.yield
    }) : () -> ()
    %dma_start3A = arith.constant 0 : i32
    %dma_start3A_3 = arith.constant 0 : i32
    %dma_start3A_4 = tpu.memref_slice %arg6[%dma_start3A_3] : memref<3328xf32, #tpu.memory_space<vmem>> -> memref<128xf32, #tpu.memory_space<vmem>>
    %dma_start3A_5 = arith.constant 0 : i32
    %dma_start3A_6 = tpu.memref_slice %arg5[%dma_start3A, %dma_start3A_5] : memref<26x128xi32, #tpu.memory_space<vmem>> -> memref<1x128xi32, #tpu.memory_space<vmem>>
    %dma_start3A_7 = tpu.memref_squeeze %dma_start3A_6 : memref<1x128xi32, #tpu.memory_space<vmem>> -> memref<128xi32, #tpu.memory_space<vmem>>
    %dma_start3A_8 = arith.constant 0 : i32
    %dma_start3A_9 = tpu.memref_slice %arg3[%dma_start3A_8] : memref<1000000xf32, #tpu.memory_space<hbm>> -> memref<1000000xf32, #tpu.memory_space<hbm>>
    tpu.enqueue_indirect_dma source(%dma_start3A_9 : memref<1000000xf32, #tpu.memory_space<hbm>>) target(%dma_start3A_4 : memref<128xf32, #tpu.memory_space<vmem>>) offsets(%dma_start3A_7 : memref<128xi32, #tpu.memory_space<vmem>>) semaphore(%arg8 : memref<!tpu.dma_semaphore, #tpu.memory_space<semaphore_mem>>)
    %dma_start3A_10 = arith.constant 1 : i32
    %dma_start3A_11 = arith.constant 128 : i32
    %dma_start3A_12 = tpu.memref_slice %arg6[%dma_start3A_11] : memref<3328xf32, #tpu.memory_space<vmem>> -> memref<128xf32, #tpu.memory_space<vmem>>
    %dma_start3A_13 = arith.constant 0 : i32
    %dma_start3A_14 = tpu.memref_slice %arg5[%dma_start3A_10, %dma_start3A_13] : memref<26x128xi32, #tpu.memory_space<vmem>> -> memref<1x128xi32, #tpu.memory_space<vmem>>
    %dma_start3A_15 = tpu.memref_squeeze %dma_start3A_14 : memref<1x128xi32, #tpu.memory_space<vmem>> -> memref<128xi32, #tpu.memory_space<vmem>>
    %dma_start3A_16 = arith.constant 0 : i32
    %dma_start3A_17 = tpu.memref_slice %arg3[%dma_start3A_16] : memref<1000000xf32, #tpu.memory_space<hbm>> -> memref<1000000xf32, #tpu.memory_space<hbm>>
    tpu.enqueue_indirect_dma source(%dma_start3A_17 : memref<1000000xf32, #tpu.memory_space<hbm>>) target(%dma_start3A_12 : memref<128xf32, #tpu.memory_space<vmem>>) offsets(%dma_start3A_15 : memref<128xi32, #tpu.memory_space<vmem>>) semaphore(%arg8 : memref<!tpu.dma_semaphore, #tpu.memory_space<semaphore_mem>>)
    %dma_start3A_18 = arith.constant 2 : i32
    %dma_start3A_19 = arith.constant 256 : i32
    %dma_start3A_20 = tpu.memref_slice %arg6[%dma_start3A_19] : memref<3328xf32, #tpu.memory_space<vmem>> -> memref<128xf32, #tpu.memory_space<vmem>>
    %dma_start3A_21 = arith.constant 0 : i32
    %dma_start3A_22 = tpu.memref_slice %arg5[%dma_start3A_18, %dma_start3A_21] : memref<26x128xi32, #tpu.memory_space<vmem>> -> memref<1x128xi32, #tpu.memory_space<vmem>>
    %dma_start3A_23 = tpu.memref_squeeze %dma_start3A_22 : memref<1x128xi32, #tpu.memory_space<vmem>> -> memref<128xi32, #tpu.memory_space<vmem>>
    %dma_start3A_24 = arith.constant 0 : i32
    %dma_start3A_25 = tpu.memref_slice %arg3[%dma_start3A_24] : memref<1000000xf32, #tpu.memory_space<hbm>> -> memref<1000000xf32, #tpu.memory_space<hbm>>
    tpu.enqueue_indirect_dma source(%dma_start3A_25 : memref<1000000xf32, #tpu.memory_space<hbm>>) target(%dma_start3A_20 : memref<128xf32, #tpu.memory_space<vmem>>) offsets(%dma_start3A_23 : memref<128xi32, #tpu.memory_space<vmem>>) semaphore(%arg8 : memref<!tpu.dma_semaphore, #tpu.memory_space<semaphore_mem>>)
    %dma_start3A_26 = arith.constant 3 : i32
    %dma_start3A_27 = arith.constant 384 : i32
    %dma_start3A_28 = tpu.memref_slice %arg6[%dma_start3A_27] : memref<3328xf32, #tpu.memory_space<vmem>> -> memref<128xf32, #tpu.memory_space<vmem>>
    %dma_start3A_29 = arith.constant 0 : i32
    %dma_start3A_30 = tpu.memref_slice %arg5[%dma_start3A_26, %dma_start3A_29] : memref<26x128xi32, #tpu.memory_space<vmem>> -> memref<1x128xi32, #tpu.memory_space<vmem>>
    %dma_start3A_31 = tpu.memref_squeeze %dma_start3A_30 : memref<1x128xi32, #tpu.memory_space<vmem>> -> memref<128xi32, #tpu.memory_space<vmem>>
    %dma_start3A_32 = arith.constant 0 : i32
    %dma_start3A_33 = tpu.memref_slice %arg3[%dma_start3A_32] : memref<1000000xf32, #tpu.memory_space<hbm>> -> memref<1000000xf32, #tpu.memory_space<hbm>>
    tpu.enqueue_indirect_dma source(%dma_start3A_33 : memref<1000000xf32, #tpu.memory_space<hbm>>) target(%dma_start3A_28 : memref<128xf32, #tpu.memory_space<vmem>>) offsets(%dma_start3A_31 : memref<128xi32, #tpu.memory_space<vmem>>) semaphore(%arg8 : memref<!tpu.dma_semaphore, #tpu.memory_space<semaphore_mem>>)
    %dma_start3A_34 = arith.constant 4 : i32
    %dma_start3A_35 = arith.constant 512 : i32
    %dma_start3A_36 = tpu.memref_slice %arg6[%dma_start3A_35] : memref<3328xf32, #tpu.memory_space<vmem>> -> memref<128xf32, #tpu.memory_space<vmem>>
    %dma_start3A_37 = arith.constant 0 : i32
    %dma_start3A_38 = tpu.memref_slice %arg5[%dma_start3A_34, %dma_start3A_37] : memref<26x128xi32, #tpu.memory_space<vmem>> -> memref<1x128xi32, #tpu.memory_space<vmem>>
    %dma_start3A_39 = tpu.memref_squeeze %dma_start3A_38 : memref<1x128xi32, #tpu.memory_space<vmem>> -> memref<128xi32, #tpu.memory_space<vmem>>
    %dma_start3A_40 = arith.constant 0 : i32
    %dma_start3A_41 = tpu.memref_slice %arg3[%dma_start3A_40] : memref<1000000xf32, #tpu.memory_space<hbm>> -> memref<1000000xf32, #tpu.memory_space<hbm>>
    tpu.enqueue_indirect_dma source(%dma_start3A_41 : memref<1000000xf32, #tpu.memory_space<hbm>>) target(%dma_start3A_36 : memref<128xf32, #tpu.memory_space<vmem>>) offsets(%dma_start3A_39 : memref<128xi32, #tpu.memory_space<vmem>>) semaphore(%arg8 : memref<!tpu.dma_semaphore, #tpu.memory_space<semaphore_mem>>)
    %dma_start3A_42 = arith.constant 5 : i32
    %dma_start3A_43 = arith.constant 640 : i32
    %dma_start3A_44 = tpu.memref_slice %arg6[%dma_start3A_43] : memref<3328xf32, #tpu.memory_space<vmem>> -> memref<128xf32, #tpu.memory_space<vmem>>
    %dma_start3A_45 = arith.constant 0 : i32
    %dma_start3A_46 = tpu.memref_slice %arg5[%dma_start3A_42, %dma_start3A_45] : memref<26x128xi32, #tpu.memory_space<vmem>> -> memref<1x128xi32, #tpu.memory_space<vmem>>
    %dma_start3A_47 = tpu.memref_squeeze %dma_start3A_46 : memref<1x128xi32, #tpu.memory_space<vmem>> -> memref<128xi32, #tpu.memory_space<vmem>>
    %dma_start3A_48 = arith.constant 0 : i32
    %dma_start3A_49 = tpu.memref_slice %arg3[%dma_start3A_48] : memref<1000000xf32, #tpu.memory_space<hbm>> -> memref<1000000xf32, #tpu.memory_space<hbm>>
    tpu.enqueue_indirect_dma source(%dma_start3A_49 : memref<1000000xf32, #tpu.memory_space<hbm>>) target(%dma_start3A_44 : memref<128xf32, #tpu.memory_space<vmem>>) offsets(%dma_start3A_47 : memref<128xi32, #tpu.memory_space<vmem>>) semaphore(%arg8 : memref<!tpu.dma_semaphore, #tpu.memory_space<semaphore_mem>>)
    %dma_start3A_50 = arith.constant 6 : i32
    %dma_start3A_51 = arith.constant 768 : i32
    %dma_start3A_52 = tpu.memref_slice %arg6[%dma_start3A_51] : memref<3328xf32, #tpu.memory_space<vmem>> -> memref<128xf32, #tpu.memory_space<vmem>>
    %dma_start3A_53 = arith.constant 0 : i32
    %dma_start3A_54 = tpu.memref_slice %arg5[%dma_start3A_50, %dma_start3A_53] : memref<26x128xi32, #tpu.memory_space<vmem>> -> memref<1x128xi32, #tpu.memory_space<vmem>>
    %dma_start3A_55 = tpu.memref_squeeze %dma_start3A_54 : memref<1x128xi32, #tpu.memory_space<vmem>> -> memref<128xi32, #tpu.memory_space<vmem>>
    %dma_start3A_56 = arith.constant 0 : i32
    %dma_start3A_57 = tpu.memref_slice %arg3[%dma_start3A_56] : memref<1000000xf32, #tpu.memory_space<hbm>> -> memref<1000000xf32, #tpu.memory_space<hbm>>
    tpu.enqueue_indirect_dma source(%dma_start3A_57 : memref<1000000xf32, #tpu.memory_space<hbm>>) target(%dma_start3A_52 : memref<128xf32, #tpu.memory_space<vmem>>) offsets(%dma_start3A_55 : memref<128xi32, #tpu.memory_space<vmem>>) semaphore(%arg8 : memref<!tpu.dma_semaphore, #tpu.memory_space<semaphore_mem>>)
    %dma_start3A_58 = arith.constant 7 : i32
    %dma_start3A_59 = arith.constant 896 : i32
    %dma_start3A_60 = tpu.memref_slice %arg6[%dma_start3A_59] : memref<3328xf32, #tpu.memory_space<vmem>> -> memref<128xf32, #tpu.memory_space<vmem>>
    %dma_start3A_61 = arith.constant 0 : i32
    %dma_start3A_62 = tpu.memref_slice %arg5[%dma_start3A_58, %dma_start3A_61] : memref<26x128xi32, #tpu.memory_space<vmem>> -> memref<1x128xi32, #tpu.memory_space<vmem>>
    %dma_start3A_63 = tpu.memref_squeeze %dma_start3A_62 : memref<1x128xi32, #tpu.memory_space<vmem>> -> memref<128xi32, #tpu.memory_space<vmem>>
    %dma_start3A_64 = arith.constant 0 : i32
    %dma_start3A_65 = tpu.memref_slice %arg3[%dma_start3A_64] : memref<1000000xf32, #tpu.memory_space<hbm>> -> memref<1000000xf32, #tpu.memory_space<hbm>>
    tpu.enqueue_indirect_dma source(%dma_start3A_65 : memref<1000000xf32, #tpu.memory_space<hbm>>) target(%dma_start3A_60 : memref<128xf32, #tpu.memory_space<vmem>>) offsets(%dma_start3A_63 : memref<128xi32, #tpu.memory_space<vmem>>) semaphore(%arg8 : memref<!tpu.dma_semaphore, #tpu.memory_space<semaphore_mem>>)
    %dma_start3A_66 = arith.constant 8 : i32
    %dma_start3A_67 = arith.constant 1024 : i32
    %dma_start3A_68 = tpu.memref_slice %arg6[%dma_start3A_67] : memref<3328xf32, #tpu.memory_space<vmem>> -> memref<128xf32, #tpu.memory_space<vmem>>
    %dma_start3A_69 = arith.constant 0 : i32
    %dma_start3A_70 = tpu.memref_slice %arg5[%dma_start3A_66, %dma_start3A_69] : memref<26x128xi32, #tpu.memory_space<vmem>> -> memref<1x128xi32, #tpu.memory_space<vmem>>
    %dma_start3A_71 = tpu.memref_squeeze %dma_start3A_70 : memref<1x128xi32, #tpu.memory_space<vmem>> -> memref<128xi32, #tpu.memory_space<vmem>>
    %dma_start3A_72 = arith.constant 0 : i32
    %dma_start3A_73 = tpu.memref_slice %arg3[%dma_start3A_72] : memref<1000000xf32, #tpu.memory_space<hbm>> -> memref<1000000xf32, #tpu.memory_space<hbm>>
    tpu.enqueue_indirect_dma source(%dma_start3A_73 : memref<1000000xf32, #tpu.memory_space<hbm>>) target(%dma_start3A_68 : memref<128xf32, #tpu.memory_space<vmem>>) offsets(%dma_start3A_71 : memref<128xi32, #tpu.memory_space<vmem>>) semaphore(%arg8 : memref<!tpu.dma_semaphore, #tpu.memory_space<semaphore_mem>>)
    %dma_start3A_74 = arith.constant 9 : i32
    %dma_start3A_75 = arith.constant 1152 : i32
    %dma_start3A_76 = tpu.memref_slice %arg6[%dma_start3A_75] : memref<3328xf32, #tpu.memory_space<vmem>> -> memref<128xf32, #tpu.memory_space<vmem>>
    %dma_start3A_77 = arith.constant 0 : i32
    %dma_start3A_78 = tpu.memref_slice %arg5[%dma_start3A_74, %dma_start3A_77] : memref<26x128xi32, #tpu.memory_space<vmem>> -> memref<1x128xi32, #tpu.memory_space<vmem>>
    %dma_start3A_79 = tpu.memref_squeeze %dma_start3A_78 : memref<1x128xi32, #tpu.memory_space<vmem>> -> memref<128xi32, #tpu.memory_space<vmem>>
    %dma_start3A_80 = arith.constant 0 : i32
    %dma_start3A_81 = tpu.memref_slice %arg3[%dma_start3A_80] : memref<1000000xf32, #tpu.memory_space<hbm>> -> memref<1000000xf32, #tpu.memory_space<hbm>>
    tpu.enqueue_indirect_dma source(%dma_start3A_81 : memref<1000000xf32, #tpu.memory_space<hbm>>) target(%dma_start3A_76 : memref<128xf32, #tpu.memory_space<vmem>>) offsets(%dma_start3A_79 : memref<128xi32, #tpu.memory_space<vmem>>) semaphore(%arg8 : memref<!tpu.dma_semaphore, #tpu.memory_space<semaphore_mem>>)
    %dma_start3A_82 = arith.constant 10 : i32
    %dma_start3A_83 = arith.constant 1280 : i32
    %dma_start3A_84 = tpu.memref_slice %arg6[%dma_start3A_83] : memref<3328xf32, #tpu.memory_space<vmem>> -> memref<128xf32, #tpu.memory_space<vmem>>
    %dma_start3A_85 = arith.constant 0 : i32
    %dma_start3A_86 = tpu.memref_slice %arg5[%dma_start3A_82, %dma_start3A_85] : memref<26x128xi32, #tpu.memory_space<vmem>> -> memref<1x128xi32, #tpu.memory_space<vmem>>
    %dma_start3A_87 = tpu.memref_squeeze %dma_start3A_86 : memref<1x128xi32, #tpu.memory_space<vmem>> -> memref<128xi32, #tpu.memory_space<vmem>>
    %dma_start3A_88 = arith.constant 0 : i32
    %dma_start3A_89 = tpu.memref_slice %arg3[%dma_start3A_88] : memref<1000000xf32, #tpu.memory_space<hbm>> -> memref<1000000xf32, #tpu.memory_space<hbm>>
    tpu.enqueue_indirect_dma source(%dma_start3A_89 : memref<1000000xf32, #tpu.memory_space<hbm>>) target(%dma_start3A_84 : memref<128xf32, #tpu.memory_space<vmem>>) offsets(%dma_start3A_87 : memref<128xi32, #tpu.memory_space<vmem>>) semaphore(%arg8 : memref<!tpu.dma_semaphore, #tpu.memory_space<semaphore_mem>>)
    %dma_start3A_90 = arith.constant 11 : i32
    %dma_start3A_91 = arith.constant 1408 : i32
    %dma_start3A_92 = tpu.memref_slice %arg6[%dma_start3A_91] : memref<3328xf32, #tpu.memory_space<vmem>> -> memref<128xf32, #tpu.memory_space<vmem>>
    %dma_start3A_93 = arith.constant 0 : i32
    %dma_start3A_94 = tpu.memref_slice %arg5[%dma_start3A_90, %dma_start3A_93] : memref<26x128xi32, #tpu.memory_space<vmem>> -> memref<1x128xi32, #tpu.memory_space<vmem>>
    %dma_start3A_95 = tpu.memref_squeeze %dma_start3A_94 : memref<1x128xi32, #tpu.memory_space<vmem>> -> memref<128xi32, #tpu.memory_space<vmem>>
    %dma_start3A_96 = arith.constant 0 : i32
    %dma_start3A_97 = tpu.memref_slice %arg3[%dma_start3A_96] : memref<1000000xf32, #tpu.memory_space<hbm>> -> memref<1000000xf32, #tpu.memory_space<hbm>>
    tpu.enqueue_indirect_dma source(%dma_start3A_97 : memref<1000000xf32, #tpu.memory_space<hbm>>) target(%dma_start3A_92 : memref<128xf32, #tpu.memory_space<vmem>>) offsets(%dma_start3A_95 : memref<128xi32, #tpu.memory_space<vmem>>) semaphore(%arg8 : memref<!tpu.dma_semaphore, #tpu.memory_space<semaphore_mem>>)
    %dma_start3A_98 = arith.constant 12 : i32
    %dma_start3A_99 = arith.constant 1536 : i32
    %dma_start3A_100 = tpu.memref_slice %arg6[%dma_start3A_99] : memref<3328xf32, #tpu.memory_space<vmem>> -> memref<128xf32, #tpu.memory_space<vmem>>
    %dma_start3A_101 = arith.constant 0 : i32
    %dma_start3A_102 = tpu.memref_slice %arg5[%dma_start3A_98, %dma_start3A_101] : memref<26x128xi32, #tpu.memory_space<vmem>> -> memref<1x128xi32, #tpu.memory_space<vmem>>
    %dma_start3A_103 = tpu.memref_squeeze %dma_start3A_102 : memref<1x128xi32, #tpu.memory_space<vmem>> -> memref<128xi32, #tpu.memory_space<vmem>>
    %dma_start3A_104 = arith.constant 0 : i32
    %dma_start3A_105 = tpu.memref_slice %arg3[%dma_start3A_104] : memref<1000000xf32, #tpu.memory_space<hbm>> -> memref<1000000xf32, #tpu.memory_space<hbm>>
    tpu.enqueue_indirect_dma source(%dma_start3A_105 : memref<1000000xf32, #tpu.memory_space<hbm>>) target(%dma_start3A_100 : memref<128xf32, #tpu.memory_space<vmem>>) offsets(%dma_start3A_103 : memref<128xi32, #tpu.memory_space<vmem>>) semaphore(%arg8 : memref<!tpu.dma_semaphore, #tpu.memory_space<semaphore_mem>>)
    %dma_start3A_106 = arith.constant 13 : i32
    %dma_start3A_107 = arith.constant 1664 : i32
    %dma_start3A_108 = tpu.memref_slice %arg6[%dma_start3A_107] : memref<3328xf32, #tpu.memory_space<vmem>> -> memref<128xf32, #tpu.memory_space<vmem>>
    %dma_start3A_109 = arith.constant 0 : i32
    %dma_start3A_110 = tpu.memref_slice %arg5[%dma_start3A_106, %dma_start3A_109] : memref<26x128xi32, #tpu.memory_space<vmem>> -> memref<1x128xi32, #tpu.memory_space<vmem>>
    %dma_start3A_111 = tpu.memref_squeeze %dma_start3A_110 : memref<1x128xi32, #tpu.memory_space<vmem>> -> memref<128xi32, #tpu.memory_space<vmem>>
    %dma_start3A_112 = arith.constant 0 : i32
    %dma_start3A_113 = tpu.memref_slice %arg3[%dma_start3A_112] : memref<1000000xf32, #tpu.memory_space<hbm>> -> memref<1000000xf32, #tpu.memory_space<hbm>>
    tpu.enqueue_indirect_dma source(%dma_start3A_113 : memref<1000000xf32, #tpu.memory_space<hbm>>) target(%dma_start3A_108 : memref<128xf32, #tpu.memory_space<vmem>>) offsets(%dma_start3A_111 : memref<128xi32, #tpu.memory_space<vmem>>) semaphore(%arg8 : memref<!tpu.dma_semaphore, #tpu.memory_space<semaphore_mem>>)
    %dma_start3A_114 = arith.constant 14 : i32
    %dma_start3A_115 = arith.constant 1792 : i32
    %dma_start3A_116 = tpu.memref_slice %arg6[%dma_start3A_115] : memref<3328xf32, #tpu.memory_space<vmem>> -> memref<128xf32, #tpu.memory_space<vmem>>
    %dma_start3A_117 = arith.constant 0 : i32
    %dma_start3A_118 = tpu.memref_slice %arg5[%dma_start3A_114, %dma_start3A_117] : memref<26x128xi32, #tpu.memory_space<vmem>> -> memref<1x128xi32, #tpu.memory_space<vmem>>
    %dma_start3A_119 = tpu.memref_squeeze %dma_start3A_118 : memref<1x128xi32, #tpu.memory_space<vmem>> -> memref<128xi32, #tpu.memory_space<vmem>>
    %dma_start3A_120 = arith.constant 0 : i32
    %dma_start3A_121 = tpu.memref_slice %arg3[%dma_start3A_120] : memref<1000000xf32, #tpu.memory_space<hbm>> -> memref<1000000xf32, #tpu.memory_space<hbm>>
    tpu.enqueue_indirect_dma source(%dma_start3A_121 : memref<1000000xf32, #tpu.memory_space<hbm>>) target(%dma_start3A_116 : memref<128xf32, #tpu.memory_space<vmem>>) offsets(%dma_start3A_119 : memref<128xi32, #tpu.memory_space<vmem>>) semaphore(%arg8 : memref<!tpu.dma_semaphore, #tpu.memory_space<semaphore_mem>>)
    %dma_start3A_122 = arith.constant 15 : i32
    %dma_start3A_123 = arith.constant 1920 : i32
    %dma_start3A_124 = tpu.memref_slice %arg6[%dma_start3A_123] : memref<3328xf32, #tpu.memory_space<vmem>> -> memref<128xf32, #tpu.memory_space<vmem>>
    %dma_start3A_125 = arith.constant 0 : i32
    %dma_start3A_126 = tpu.memref_slice %arg5[%dma_start3A_122, %dma_start3A_125] : memref<26x128xi32, #tpu.memory_space<vmem>> -> memref<1x128xi32, #tpu.memory_space<vmem>>
    %dma_start3A_127 = tpu.memref_squeeze %dma_start3A_126 : memref<1x128xi32, #tpu.memory_space<vmem>> -> memref<128xi32, #tpu.memory_space<vmem>>
    %dma_start3A_128 = arith.constant 0 : i32
    %dma_start3A_129 = tpu.memref_slice %arg3[%dma_start3A_128] : memref<1000000xf32, #tpu.memory_space<hbm>> -> memref<1000000xf32, #tpu.memory_space<hbm>>
    tpu.enqueue_indirect_dma source(%dma_start3A_129 : memref<1000000xf32, #tpu.memory_space<hbm>>) target(%dma_start3A_124 : memref<128xf32, #tpu.memory_space<vmem>>) offsets(%dma_start3A_127 : memref<128xi32, #tpu.memory_space<vmem>>) semaphore(%arg8 : memref<!tpu.dma_semaphore, #tpu.memory_space<semaphore_mem>>)
    %dma_start3A_130 = arith.constant 16 : i32
    %dma_start3A_131 = arith.constant 2048 : i32
    %dma_start3A_132 = tpu.memref_slice %arg6[%dma_start3A_131] : memref<3328xf32, #tpu.memory_space<vmem>> -> memref<128xf32, #tpu.memory_space<vmem>>
    %dma_start3A_133 = arith.constant 0 : i32
    %dma_start3A_134 = tpu.memref_slice %arg5[%dma_start3A_130, %dma_start3A_133] : memref<26x128xi32, #tpu.memory_space<vmem>> -> memref<1x128xi32, #tpu.memory_space<vmem>>
    %dma_start3A_135 = tpu.memref_squeeze %dma_start3A_134 : memref<1x128xi32, #tpu.memory_space<vmem>> -> memref<128xi32, #tpu.memory_space<vmem>>
    %dma_start3A_136 = arith.constant 0 : i32
    %dma_start3A_137 = tpu.memref_slice %arg3[%dma_start3A_136] : memref<1000000xf32, #tpu.memory_space<hbm>> -> memref<1000000xf32, #tpu.memory_space<hbm>>
    tpu.enqueue_indirect_dma source(%dma_start3A_137 : memref<1000000xf32, #tpu.memory_space<hbm>>) target(%dma_start3A_132 : memref<128xf32, #tpu.memory_space<vmem>>) offsets(%dma_start3A_135 : memref<128xi32, #tpu.memory_space<vmem>>) semaphore(%arg8 : memref<!tpu.dma_semaphore, #tpu.memory_space<semaphore_mem>>)
    %dma_start3A_138 = arith.constant 17 : i32
    %dma_start3A_139 = arith.constant 2176 : i32
    %dma_start3A_140 = tpu.memref_slice %arg6[%dma_start3A_139] : memref<3328xf32, #tpu.memory_space<vmem>> -> memref<128xf32, #tpu.memory_space<vmem>>
    %dma_start3A_141 = arith.constant 0 : i32
    %dma_start3A_142 = tpu.memref_slice %arg5[%dma_start3A_138, %dma_start3A_141] : memref<26x128xi32, #tpu.memory_space<vmem>> -> memref<1x128xi32, #tpu.memory_space<vmem>>
    %dma_start3A_143 = tpu.memref_squeeze %dma_start3A_142 : memref<1x128xi32, #tpu.memory_space<vmem>> -> memref<128xi32, #tpu.memory_space<vmem>>
    %dma_start3A_144 = arith.constant 0 : i32
    %dma_start3A_145 = tpu.memref_slice %arg3[%dma_start3A_144] : memref<1000000xf32, #tpu.memory_space<hbm>> -> memref<1000000xf32, #tpu.memory_space<hbm>>
    tpu.enqueue_indirect_dma source(%dma_start3A_145 : memref<1000000xf32, #tpu.memory_space<hbm>>) target(%dma_start3A_140 : memref<128xf32, #tpu.memory_space<vmem>>) offsets(%dma_start3A_143 : memref<128xi32, #tpu.memory_space<vmem>>) semaphore(%arg8 : memref<!tpu.dma_semaphore, #tpu.memory_space<semaphore_mem>>)
    %dma_start3A_146 = arith.constant 18 : i32
    %dma_start3A_147 = arith.constant 2304 : i32
    %dma_start3A_148 = tpu.memref_slice %arg6[%dma_start3A_147] : memref<3328xf32, #tpu.memory_space<vmem>> -> memref<128xf32, #tpu.memory_space<vmem>>
    %dma_start3A_149 = arith.constant 0 : i32
    %dma_start3A_150 = tpu.memref_slice %arg5[%dma_start3A_146, %dma_start3A_149] : memref<26x128xi32, #tpu.memory_space<vmem>> -> memref<1x128xi32, #tpu.memory_space<vmem>>
    %dma_start3A_151 = tpu.memref_squeeze %dma_start3A_150 : memref<1x128xi32, #tpu.memory_space<vmem>> -> memref<128xi32, #tpu.memory_space<vmem>>
    %dma_start3A_152 = arith.constant 0 : i32
    %dma_start3A_153 = tpu.memref_slice %arg3[%dma_start3A_152] : memref<1000000xf32, #tpu.memory_space<hbm>> -> memref<1000000xf32, #tpu.memory_space<hbm>>
    tpu.enqueue_indirect_dma source(%dma_start3A_153 : memref<1000000xf32, #tpu.memory_space<hbm>>) target(%dma_start3A_148 : memref<128xf32, #tpu.memory_space<vmem>>) offsets(%dma_start3A_151 : memref<128xi32, #tpu.memory_space<vmem>>) semaphore(%arg8 : memref<!tpu.dma_semaphore, #tpu.memory_space<semaphore_mem>>)
    %dma_start3A_154 = arith.constant 19 : i32
    %dma_start3A_155 = arith.constant 2432 : i32
    %dma_start3A_156 = tpu.memref_slice %arg6[%dma_start3A_155] : memref<3328xf32, #tpu.memory_space<vmem>> -> memref<128xf32, #tpu.memory_space<vmem>>
    %dma_start3A_157 = arith.constant 0 : i32
    %dma_start3A_158 = tpu.memref_slice %arg5[%dma_start3A_154, %dma_start3A_157] : memref<26x128xi32, #tpu.memory_space<vmem>> -> memref<1x128xi32, #tpu.memory_space<vmem>>
    %dma_start3A_159 = tpu.memref_squeeze %dma_start3A_158 : memref<1x128xi32, #tpu.memory_space<vmem>> -> memref<128xi32, #tpu.memory_space<vmem>>
    %dma_start3A_160 = arith.constant 0 : i32
    %dma_start3A_161 = tpu.memref_slice %arg3[%dma_start3A_160] : memref<1000000xf32, #tpu.memory_space<hbm>> -> memref<1000000xf32, #tpu.memory_space<hbm>>
    tpu.enqueue_indirect_dma source(%dma_start3A_161 : memref<1000000xf32, #tpu.memory_space<hbm>>) target(%dma_start3A_156 : memref<128xf32, #tpu.memory_space<vmem>>) offsets(%dma_start3A_159 : memref<128xi32, #tpu.memory_space<vmem>>) semaphore(%arg8 : memref<!tpu.dma_semaphore, #tpu.memory_space<semaphore_mem>>)
    %dma_start3A_162 = arith.constant 20 : i32
    %dma_start3A_163 = arith.constant 2560 : i32
    %dma_start3A_164 = tpu.memref_slice %arg6[%dma_start3A_163] : memref<3328xf32, #tpu.memory_space<vmem>> -> memref<128xf32, #tpu.memory_space<vmem>>
    %dma_start3A_165 = arith.constant 0 : i32
    %dma_start3A_166 = tpu.memref_slice %arg5[%dma_start3A_162, %dma_start3A_165] : memref<26x128xi32, #tpu.memory_space<vmem>> -> memref<1x128xi32, #tpu.memory_space<vmem>>
    %dma_start3A_167 = tpu.memref_squeeze %dma_start3A_166 : memref<1x128xi32, #tpu.memory_space<vmem>> -> memref<128xi32, #tpu.memory_space<vmem>>
    %dma_start3A_168 = arith.constant 0 : i32
    %dma_start3A_169 = tpu.memref_slice %arg3[%dma_start3A_168] : memref<1000000xf32, #tpu.memory_space<hbm>> -> memref<1000000xf32, #tpu.memory_space<hbm>>
    tpu.enqueue_indirect_dma source(%dma_start3A_169 : memref<1000000xf32, #tpu.memory_space<hbm>>) target(%dma_start3A_164 : memref<128xf32, #tpu.memory_space<vmem>>) offsets(%dma_start3A_167 : memref<128xi32, #tpu.memory_space<vmem>>) semaphore(%arg8 : memref<!tpu.dma_semaphore, #tpu.memory_space<semaphore_mem>>)
    %dma_start3A_170 = arith.constant 21 : i32
    %dma_start3A_171 = arith.constant 2688 : i32
    %dma_start3A_172 = tpu.memref_slice %arg6[%dma_start3A_171] : memref<3328xf32, #tpu.memory_space<vmem>> -> memref<128xf32, #tpu.memory_space<vmem>>
    %dma_start3A_173 = arith.constant 0 : i32
    %dma_start3A_174 = tpu.memref_slice %arg5[%dma_start3A_170, %dma_start3A_173] : memref<26x128xi32, #tpu.memory_space<vmem>> -> memref<1x128xi32, #tpu.memory_space<vmem>>
    %dma_start3A_175 = tpu.memref_squeeze %dma_start3A_174 : memref<1x128xi32, #tpu.memory_space<vmem>> -> memref<128xi32, #tpu.memory_space<vmem>>
    %dma_start3A_176 = arith.constant 0 : i32
    %dma_start3A_177 = tpu.memref_slice %arg3[%dma_start3A_176] : memref<1000000xf32, #tpu.memory_space<hbm>> -> memref<1000000xf32, #tpu.memory_space<hbm>>
    tpu.enqueue_indirect_dma source(%dma_start3A_177 : memref<1000000xf32, #tpu.memory_space<hbm>>) target(%dma_start3A_172 : memref<128xf32, #tpu.memory_space<vmem>>) offsets(%dma_start3A_175 : memref<128xi32, #tpu.memory_space<vmem>>) semaphore(%arg8 : memref<!tpu.dma_semaphore, #tpu.memory_space<semaphore_mem>>)
    %dma_start3A_178 = arith.constant 22 : i32
    %dma_start3A_179 = arith.constant 2816 : i32
    %dma_start3A_180 = tpu.memref_slice %arg6[%dma_start3A_179] : memref<3328xf32, #tpu.memory_space<vmem>> -> memref<128xf32, #tpu.memory_space<vmem>>
    %dma_start3A_181 = arith.constant 0 : i32
    %dma_start3A_182 = tpu.memref_slice %arg5[%dma_start3A_178, %dma_start3A_181] : memref<26x128xi32, #tpu.memory_space<vmem>> -> memref<1x128xi32, #tpu.memory_space<vmem>>
    %dma_start3A_183 = tpu.memref_squeeze %dma_start3A_182 : memref<1x128xi32, #tpu.memory_space<vmem>> -> memref<128xi32, #tpu.memory_space<vmem>>
    %dma_start3A_184 = arith.constant 0 : i32
    %dma_start3A_185 = tpu.memref_slice %arg3[%dma_start3A_184] : memref<1000000xf32, #tpu.memory_space<hbm>> -> memref<1000000xf32, #tpu.memory_space<hbm>>
    tpu.enqueue_indirect_dma source(%dma_start3A_185 : memref<1000000xf32, #tpu.memory_space<hbm>>) target(%dma_start3A_180 : memref<128xf32, #tpu.memory_space<vmem>>) offsets(%dma_start3A_183 : memref<128xi32, #tpu.memory_space<vmem>>) semaphore(%arg8 : memref<!tpu.dma_semaphore, #tpu.memory_space<semaphore_mem>>)
    %dma_start3A_186 = arith.constant 23 : i32
    %dma_start3A_187 = arith.constant 2944 : i32
    %dma_start3A_188 = tpu.memref_slice %arg6[%dma_start3A_187] : memref<3328xf32, #tpu.memory_space<vmem>> -> memref<128xf32, #tpu.memory_space<vmem>>
    %dma_start3A_189 = arith.constant 0 : i32
    %dma_start3A_190 = tpu.memref_slice %arg5[%dma_start3A_186, %dma_start3A_189] : memref<26x128xi32, #tpu.memory_space<vmem>> -> memref<1x128xi32, #tpu.memory_space<vmem>>
    %dma_start3A_191 = tpu.memref_squeeze %dma_start3A_190 : memref<1x128xi32, #tpu.memory_space<vmem>> -> memref<128xi32, #tpu.memory_space<vmem>>
    %dma_start3A_192 = arith.constant 0 : i32
    %dma_start3A_193 = tpu.memref_slice %arg3[%dma_start3A_192] : memref<1000000xf32, #tpu.memory_space<hbm>> -> memref<1000000xf32, #tpu.memory_space<hbm>>
    tpu.enqueue_indirect_dma source(%dma_start3A_193 : memref<1000000xf32, #tpu.memory_space<hbm>>) target(%dma_start3A_188 : memref<128xf32, #tpu.memory_space<vmem>>) offsets(%dma_start3A_191 : memref<128xi32, #tpu.memory_space<vmem>>) semaphore(%arg8 : memref<!tpu.dma_semaphore, #tpu.memory_space<semaphore_mem>>)
    %dma_start3A_194 = arith.constant 24 : i32
    %dma_start3A_195 = arith.constant 3072 : i32
    %dma_start3A_196 = tpu.memref_slice %arg6[%dma_start3A_195] : memref<3328xf32, #tpu.memory_space<vmem>> -> memref<128xf32, #tpu.memory_space<vmem>>
    %dma_start3A_197 = arith.constant 0 : i32
    %dma_start3A_198 = tpu.memref_slice %arg5[%dma_start3A_194, %dma_start3A_197] : memref<26x128xi32, #tpu.memory_space<vmem>> -> memref<1x128xi32, #tpu.memory_space<vmem>>
    %dma_start3A_199 = tpu.memref_squeeze %dma_start3A_198 : memref<1x128xi32, #tpu.memory_space<vmem>> -> memref<128xi32, #tpu.memory_space<vmem>>
    %dma_start3A_200 = arith.constant 0 : i32
    %dma_start3A_201 = tpu.memref_slice %arg3[%dma_start3A_200] : memref<1000000xf32, #tpu.memory_space<hbm>> -> memref<1000000xf32, #tpu.memory_space<hbm>>
    tpu.enqueue_indirect_dma source(%dma_start3A_201 : memref<1000000xf32, #tpu.memory_space<hbm>>) target(%dma_start3A_196 : memref<128xf32, #tpu.memory_space<vmem>>) offsets(%dma_start3A_199 : memref<128xi32, #tpu.memory_space<vmem>>) semaphore(%arg8 : memref<!tpu.dma_semaphore, #tpu.memory_space<semaphore_mem>>)
    %dma_start3A_202 = arith.constant 25 : i32
    %dma_start3A_203 = arith.constant 3200 : i32
    %dma_start3A_204 = tpu.memref_slice %arg6[%dma_start3A_203] : memref<3328xf32, #tpu.memory_space<vmem>> -> memref<128xf32, #tpu.memory_space<vmem>>
    %dma_start3A_205 = arith.constant 0 : i32
    %dma_start3A_206 = tpu.memref_slice %arg5[%dma_start3A_202, %dma_start3A_205] : memref<26x128xi32, #tpu.memory_space<vmem>> -> memref<1x128xi32, #tpu.memory_space<vmem>>
    %dma_start3A_207 = tpu.memref_squeeze %dma_start3A_206 : memref<1x128xi32, #tpu.memory_space<vmem>> -> memref<128xi32, #tpu.memory_space<vmem>>
    %dma_start3A_208 = arith.constant 0 : i32
    %dma_start3A_209 = tpu.memref_slice %arg3[%dma_start3A_208] : memref<1000000xf32, #tpu.memory_space<hbm>> -> memref<1000000xf32, #tpu.memory_space<hbm>>
    tpu.enqueue_indirect_dma source(%dma_start3A_209 : memref<1000000xf32, #tpu.memory_space<hbm>>) target(%dma_start3A_204 : memref<128xf32, #tpu.memory_space<vmem>>) offsets(%dma_start3A_207 : memref<128xi32, #tpu.memory_space<vmem>>) semaphore(%arg8 : memref<!tpu.dma_semaphore, #tpu.memory_space<semaphore_mem>>)
    %dma_wait3A = arith.constant 0 : i32
    %dma_wait3A_210 = arith.constant 0 : i32
    %dma_wait3A_211 = tpu.memref_slice %arg6[%dma_wait3A_210] : memref<3328xf32, #tpu.memory_space<vmem>> -> memref<128xf32, #tpu.memory_space<vmem>>
    %dma_wait3A_212 = arith.constant 0 : i32
    %dma_wait3A_213 = tpu.memref_slice %arg5[%dma_wait3A, %dma_wait3A_212] : memref<26x128xi32, #tpu.memory_space<vmem>> -> memref<1x128xi32, #tpu.memory_space<vmem>>
    %dma_wait3A_214 = tpu.memref_squeeze %dma_wait3A_213 : memref<1x128xi32, #tpu.memory_space<vmem>> -> memref<128xi32, #tpu.memory_space<vmem>>
    %dma_wait3A_215 = arith.constant 0 : i32
    %dma_wait3A_216 = tpu.memref_slice %arg3[%dma_wait3A_215] : memref<1000000xf32, #tpu.memory_space<hbm>> -> memref<1000000xf32, #tpu.memory_space<hbm>>
    tpu.wait_indirect_dma semaphore(%arg8 : memref<!tpu.dma_semaphore, #tpu.memory_space<semaphore_mem>>) src(%dma_wait3A_216 : memref<1000000xf32, #tpu.memory_space<hbm>>) dst(%dma_wait3A_211 : memref<128xf32, #tpu.memory_space<vmem>>)
    %dma_wait3A_217 = arith.constant 1 : i32
    %dma_wait3A_218 = arith.constant 128 : i32
    %dma_wait3A_219 = tpu.memref_slice %arg6[%dma_wait3A_218] : memref<3328xf32, #tpu.memory_space<vmem>> -> memref<128xf32, #tpu.memory_space<vmem>>
    %dma_wait3A_220 = arith.constant 0 : i32
    %dma_wait3A_221 = tpu.memref_slice %arg5[%dma_wait3A_217, %dma_wait3A_220] : memref<26x128xi32, #tpu.memory_space<vmem>> -> memref<1x128xi32, #tpu.memory_space<vmem>>
    %dma_wait3A_222 = tpu.memref_squeeze %dma_wait3A_221 : memref<1x128xi32, #tpu.memory_space<vmem>> -> memref<128xi32, #tpu.memory_space<vmem>>
    %dma_wait3A_223 = arith.constant 0 : i32
    %dma_wait3A_224 = tpu.memref_slice %arg3[%dma_wait3A_223] : memref<1000000xf32, #tpu.memory_space<hbm>> -> memref<1000000xf32, #tpu.memory_space<hbm>>
    tpu.wait_indirect_dma semaphore(%arg8 : memref<!tpu.dma_semaphore, #tpu.memory_space<semaphore_mem>>) src(%dma_wait3A_224 : memref<1000000xf32, #tpu.memory_space<hbm>>) dst(%dma_wait3A_219 : memref<128xf32, #tpu.memory_space<vmem>>)
    %dma_wait3A_225 = arith.constant 2 : i32
    %dma_wait3A_226 = arith.constant 256 : i32
    %dma_wait3A_227 = tpu.memref_slice %arg6[%dma_wait3A_226] : memref<3328xf32, #tpu.memory_space<vmem>> -> memref<128xf32, #tpu.memory_space<vmem>>
    %dma_wait3A_228 = arith.constant 0 : i32
    %dma_wait3A_229 = tpu.memref_slice %arg5[%dma_wait3A_225, %dma_wait3A_228] : memref<26x128xi32, #tpu.memory_space<vmem>> -> memref<1x128xi32, #tpu.memory_space<vmem>>
    %dma_wait3A_230 = tpu.memref_squeeze %dma_wait3A_229 : memref<1x128xi32, #tpu.memory_space<vmem>> -> memref<128xi32, #tpu.memory_space<vmem>>
    %dma_wait3A_231 = arith.constant 0 : i32
    %dma_wait3A_232 = tpu.memref_slice %arg3[%dma_wait3A_231] : memref<1000000xf32, #tpu.memory_space<hbm>> -> memref<1000000xf32, #tpu.memory_space<hbm>>
    tpu.wait_indirect_dma semaphore(%arg8 : memref<!tpu.dma_semaphore, #tpu.memory_space<semaphore_mem>>) src(%dma_wait3A_232 : memref<1000000xf32, #tpu.memory_space<hbm>>) dst(%dma_wait3A_227 : memref<128xf32, #tpu.memory_space<vmem>>)
    %dma_wait3A_233 = arith.constant 3 : i32
    %dma_wait3A_234 = arith.constant 384 : i32
    %dma_wait3A_235 = tpu.memref_slice %arg6[%dma_wait3A_234] : memref<3328xf32, #tpu.memory_space<vmem>> -> memref<128xf32, #tpu.memory_space<vmem>>
    %dma_wait3A_236 = arith.constant 0 : i32
    %dma_wait3A_237 = tpu.memref_slice %arg5[%dma_wait3A_233, %dma_wait3A_236] : memref<26x128xi32, #tpu.memory_space<vmem>> -> memref<1x128xi32, #tpu.memory_space<vmem>>
    %dma_wait3A_238 = tpu.memref_squeeze %dma_wait3A_237 : memref<1x128xi32, #tpu.memory_space<vmem>> -> memref<128xi32, #tpu.memory_space<vmem>>
    %dma_wait3A_239 = arith.constant 0 : i32
    %dma_wait3A_240 = tpu.memref_slice %arg3[%dma_wait3A_239] : memref<1000000xf32, #tpu.memory_space<hbm>> -> memref<1000000xf32, #tpu.memory_space<hbm>>
    tpu.wait_indirect_dma semaphore(%arg8 : memref<!tpu.dma_semaphore, #tpu.memory_space<semaphore_mem>>) src(%dma_wait3A_240 : memref<1000000xf32, #tpu.memory_space<hbm>>) dst(%dma_wait3A_235 : memref<128xf32, #tpu.memory_space<vmem>>)
    %dma_wait3A_241 = arith.constant 4 : i32
    %dma_wait3A_242 = arith.constant 512 : i32
    %dma_wait3A_243 = tpu.memref_slice %arg6[%dma_wait3A_242] : memref<3328xf32, #tpu.memory_space<vmem>> -> memref<128xf32, #tpu.memory_space<vmem>>
    %dma_wait3A_244 = arith.constant 0 : i32
    %dma_wait3A_245 = tpu.memref_slice %arg5[%dma_wait3A_241, %dma_wait3A_244] : memref<26x128xi32, #tpu.memory_space<vmem>> -> memref<1x128xi32, #tpu.memory_space<vmem>>
    %dma_wait3A_246 = tpu.memref_squeeze %dma_wait3A_245 : memref<1x128xi32, #tpu.memory_space<vmem>> -> memref<128xi32, #tpu.memory_space<vmem>>
    %dma_wait3A_247 = arith.constant 0 : i32
    %dma_wait3A_248 = tpu.memref_slice %arg3[%dma_wait3A_247] : memref<1000000xf32, #tpu.memory_space<hbm>> -> memref<1000000xf32, #tpu.memory_space<hbm>>
    tpu.wait_indirect_dma semaphore(%arg8 : memref<!tpu.dma_semaphore, #tpu.memory_space<semaphore_mem>>) src(%dma_wait3A_248 : memref<1000000xf32, #tpu.memory_space<hbm>>) dst(%dma_wait3A_243 : memref<128xf32, #tpu.memory_space<vmem>>)
    %dma_wait3A_249 = arith.constant 5 : i32
    %dma_wait3A_250 = arith.constant 640 : i32
    %dma_wait3A_251 = tpu.memref_slice %arg6[%dma_wait3A_250] : memref<3328xf32, #tpu.memory_space<vmem>> -> memref<128xf32, #tpu.memory_space<vmem>>
    %dma_wait3A_252 = arith.constant 0 : i32
    %dma_wait3A_253 = tpu.memref_slice %arg5[%dma_wait3A_249, %dma_wait3A_252] : memref<26x128xi32, #tpu.memory_space<vmem>> -> memref<1x128xi32, #tpu.memory_space<vmem>>
    %dma_wait3A_254 = tpu.memref_squeeze %dma_wait3A_253 : memref<1x128xi32, #tpu.memory_space<vmem>> -> memref<128xi32, #tpu.memory_space<vmem>>
    %dma_wait3A_255 = arith.constant 0 : i32
    %dma_wait3A_256 = tpu.memref_slice %arg3[%dma_wait3A_255] : memref<1000000xf32, #tpu.memory_space<hbm>> -> memref<1000000xf32, #tpu.memory_space<hbm>>
    tpu.wait_indirect_dma semaphore(%arg8 : memref<!tpu.dma_semaphore, #tpu.memory_space<semaphore_mem>>) src(%dma_wait3A_256 : memref<1000000xf32, #tpu.memory_space<hbm>>) dst(%dma_wait3A_251 : memref<128xf32, #tpu.memory_space<vmem>>)
    %dma_wait3A_257 = arith.constant 6 : i32
    %dma_wait3A_258 = arith.constant 768 : i32
    %dma_wait3A_259 = tpu.memref_slice %arg6[%dma_wait3A_258] : memref<3328xf32, #tpu.memory_space<vmem>> -> memref<128xf32, #tpu.memory_space<vmem>>
    %dma_wait3A_260 = arith.constant 0 : i32
    %dma_wait3A_261 = tpu.memref_slice %arg5[%dma_wait3A_257, %dma_wait3A_260] : memref<26x128xi32, #tpu.memory_space<vmem>> -> memref<1x128xi32, #tpu.memory_space<vmem>>
    %dma_wait3A_262 = tpu.memref_squeeze %dma_wait3A_261 : memref<1x128xi32, #tpu.memory_space<vmem>> -> memref<128xi32, #tpu.memory_space<vmem>>
    %dma_wait3A_263 = arith.constant 0 : i32
    %dma_wait3A_264 = tpu.memref_slice %arg3[%dma_wait3A_263] : memref<1000000xf32, #tpu.memory_space<hbm>> -> memref<1000000xf32, #tpu.memory_space<hbm>>
    tpu.wait_indirect_dma semaphore(%arg8 : memref<!tpu.dma_semaphore, #tpu.memory_space<semaphore_mem>>) src(%dma_wait3A_264 : memref<1000000xf32, #tpu.memory_space<hbm>>) dst(%dma_wait3A_259 : memref<128xf32, #tpu.memory_space<vmem>>)
    %dma_wait3A_265 = arith.constant 7 : i32
    %dma_wait3A_266 = arith.constant 896 : i32
    %dma_wait3A_267 = tpu.memref_slice %arg6[%dma_wait3A_266] : memref<3328xf32, #tpu.memory_space<vmem>> -> memref<128xf32, #tpu.memory_space<vmem>>
    %dma_wait3A_268 = arith.constant 0 : i32
    %dma_wait3A_269 = tpu.memref_slice %arg5[%dma_wait3A_265, %dma_wait3A_268] : memref<26x128xi32, #tpu.memory_space<vmem>> -> memref<1x128xi32, #tpu.memory_space<vmem>>
    %dma_wait3A_270 = tpu.memref_squeeze %dma_wait3A_269 : memref<1x128xi32, #tpu.memory_space<vmem>> -> memref<128xi32, #tpu.memory_space<vmem>>
    %dma_wait3A_271 = arith.constant 0 : i32
    %dma_wait3A_272 = tpu.memref_slice %arg3[%dma_wait3A_271] : memref<1000000xf32, #tpu.memory_space<hbm>> -> memref<1000000xf32, #tpu.memory_space<hbm>>
    tpu.wait_indirect_dma semaphore(%arg8 : memref<!tpu.dma_semaphore, #tpu.memory_space<semaphore_mem>>) src(%dma_wait3A_272 : memref<1000000xf32, #tpu.memory_space<hbm>>) dst(%dma_wait3A_267 : memref<128xf32, #tpu.memory_space<vmem>>)
    %dma_wait3A_273 = arith.constant 8 : i32
    %dma_wait3A_274 = arith.constant 1024 : i32
    %dma_wait3A_275 = tpu.memref_slice %arg6[%dma_wait3A_274] : memref<3328xf32, #tpu.memory_space<vmem>> -> memref<128xf32, #tpu.memory_space<vmem>>
    %dma_wait3A_276 = arith.constant 0 : i32
    %dma_wait3A_277 = tpu.memref_slice %arg5[%dma_wait3A_273, %dma_wait3A_276] : memref<26x128xi32, #tpu.memory_space<vmem>> -> memref<1x128xi32, #tpu.memory_space<vmem>>
    %dma_wait3A_278 = tpu.memref_squeeze %dma_wait3A_277 : memref<1x128xi32, #tpu.memory_space<vmem>> -> memref<128xi32, #tpu.memory_space<vmem>>
    %dma_wait3A_279 = arith.constant 0 : i32
    %dma_wait3A_280 = tpu.memref_slice %arg3[%dma_wait3A_279] : memref<1000000xf32, #tpu.memory_space<hbm>> -> memref<1000000xf32, #tpu.memory_space<hbm>>
    tpu.wait_indirect_dma semaphore(%arg8 : memref<!tpu.dma_semaphore, #tpu.memory_space<semaphore_mem>>) src(%dma_wait3A_280 : memref<1000000xf32, #tpu.memory_space<hbm>>) dst(%dma_wait3A_275 : memref<128xf32, #tpu.memory_space<vmem>>)
    %dma_wait3A_281 = arith.constant 9 : i32
    %dma_wait3A_282 = arith.constant 1152 : i32
    %dma_wait3A_283 = tpu.memref_slice %arg6[%dma_wait3A_282] : memref<3328xf32, #tpu.memory_space<vmem>> -> memref<128xf32, #tpu.memory_space<vmem>>
    %dma_wait3A_284 = arith.constant 0 : i32
    %dma_wait3A_285 = tpu.memref_slice %arg5[%dma_wait3A_281, %dma_wait3A_284] : memref<26x128xi32, #tpu.memory_space<vmem>> -> memref<1x128xi32, #tpu.memory_space<vmem>>
    %dma_wait3A_286 = tpu.memref_squeeze %dma_wait3A_285 : memref<1x128xi32, #tpu.memory_space<vmem>> -> memref<128xi32, #tpu.memory_space<vmem>>
    %dma_wait3A_287 = arith.constant 0 : i32
    %dma_wait3A_288 = tpu.memref_slice %arg3[%dma_wait3A_287] : memref<1000000xf32, #tpu.memory_space<hbm>> -> memref<1000000xf32, #tpu.memory_space<hbm>>
    tpu.wait_indirect_dma semaphore(%arg8 : memref<!tpu.dma_semaphore, #tpu.memory_space<semaphore_mem>>) src(%dma_wait3A_288 : memref<1000000xf32, #tpu.memory_space<hbm>>) dst(%dma_wait3A_283 : memref<128xf32, #tpu.memory_space<vmem>>)
    %dma_wait3A_289 = arith.constant 10 : i32
    %dma_wait3A_290 = arith.constant 1280 : i32
    %dma_wait3A_291 = tpu.memref_slice %arg6[%dma_wait3A_290] : memref<3328xf32, #tpu.memory_space<vmem>> -> memref<128xf32, #tpu.memory_space<vmem>>
    %dma_wait3A_292 = arith.constant 0 : i32
    %dma_wait3A_293 = tpu.memref_slice %arg5[%dma_wait3A_289, %dma_wait3A_292] : memref<26x128xi32, #tpu.memory_space<vmem>> -> memref<1x128xi32, #tpu.memory_space<vmem>>
    %dma_wait3A_294 = tpu.memref_squeeze %dma_wait3A_293 : memref<1x128xi32, #tpu.memory_space<vmem>> -> memref<128xi32, #tpu.memory_space<vmem>>
    %dma_wait3A_295 = arith.constant 0 : i32
    %dma_wait3A_296 = tpu.memref_slice %arg3[%dma_wait3A_295] : memref<1000000xf32, #tpu.memory_space<hbm>> -> memref<1000000xf32, #tpu.memory_space<hbm>>
    tpu.wait_indirect_dma semaphore(%arg8 : memref<!tpu.dma_semaphore, #tpu.memory_space<semaphore_mem>>) src(%dma_wait3A_296 : memref<1000000xf32, #tpu.memory_space<hbm>>) dst(%dma_wait3A_291 : memref<128xf32, #tpu.memory_space<vmem>>)
    %dma_wait3A_297 = arith.constant 11 : i32
    %dma_wait3A_298 = arith.constant 1408 : i32
    %dma_wait3A_299 = tpu.memref_slice %arg6[%dma_wait3A_298] : memref<3328xf32, #tpu.memory_space<vmem>> -> memref<128xf32, #tpu.memory_space<vmem>>
    %dma_wait3A_300 = arith.constant 0 : i32
    %dma_wait3A_301 = tpu.memref_slice %arg5[%dma_wait3A_297, %dma_wait3A_300] : memref<26x128xi32, #tpu.memory_space<vmem>> -> memref<1x128xi32, #tpu.memory_space<vmem>>
    %dma_wait3A_302 = tpu.memref_squeeze %dma_wait3A_301 : memref<1x128xi32, #tpu.memory_space<vmem>> -> memref<128xi32, #tpu.memory_space<vmem>>
    %dma_wait3A_303 = arith.constant 0 : i32
    %dma_wait3A_304 = tpu.memref_slice %arg3[%dma_wait3A_303] : memref<1000000xf32, #tpu.memory_space<hbm>> -> memref<1000000xf32, #tpu.memory_space<hbm>>
    tpu.wait_indirect_dma semaphore(%arg8 : memref<!tpu.dma_semaphore, #tpu.memory_space<semaphore_mem>>) src(%dma_wait3A_304 : memref<1000000xf32, #tpu.memory_space<hbm>>) dst(%dma_wait3A_299 : memref<128xf32, #tpu.memory_space<vmem>>)
    %dma_wait3A_305 = arith.constant 12 : i32
    %dma_wait3A_306 = arith.constant 1536 : i32
    %dma_wait3A_307 = tpu.memref_slice %arg6[%dma_wait3A_306] : memref<3328xf32, #tpu.memory_space<vmem>> -> memref<128xf32, #tpu.memory_space<vmem>>
    %dma_wait3A_308 = arith.constant 0 : i32
    %dma_wait3A_309 = tpu.memref_slice %arg5[%dma_wait3A_305, %dma_wait3A_308] : memref<26x128xi32, #tpu.memory_space<vmem>> -> memref<1x128xi32, #tpu.memory_space<vmem>>
    %dma_wait3A_310 = tpu.memref_squeeze %dma_wait3A_309 : memref<1x128xi32, #tpu.memory_space<vmem>> -> memref<128xi32, #tpu.memory_space<vmem>>
    %dma_wait3A_311 = arith.constant 0 : i32
    %dma_wait3A_312 = tpu.memref_slice %arg3[%dma_wait3A_311] : memref<1000000xf32, #tpu.memory_space<hbm>> -> memref<1000000xf32, #tpu.memory_space<hbm>>
    tpu.wait_indirect_dma semaphore(%arg8 : memref<!tpu.dma_semaphore, #tpu.memory_space<semaphore_mem>>) src(%dma_wait3A_312 : memref<1000000xf32, #tpu.memory_space<hbm>>) dst(%dma_wait3A_307 : memref<128xf32, #tpu.memory_space<vmem>>)
    %dma_wait3A_313 = arith.constant 13 : i32
    %dma_wait3A_314 = arith.constant 1664 : i32
    %dma_wait3A_315 = tpu.memref_slice %arg6[%dma_wait3A_314] : memref<3328xf32, #tpu.memory_space<vmem>> -> memref<128xf32, #tpu.memory_space<vmem>>
    %dma_wait3A_316 = arith.constant 0 : i32
    %dma_wait3A_317 = tpu.memref_slice %arg5[%dma_wait3A_313, %dma_wait3A_316] : memref<26x128xi32, #tpu.memory_space<vmem>> -> memref<1x128xi32, #tpu.memory_space<vmem>>
    %dma_wait3A_318 = tpu.memref_squeeze %dma_wait3A_317 : memref<1x128xi32, #tpu.memory_space<vmem>> -> memref<128xi32, #tpu.memory_space<vmem>>
    %dma_wait3A_319 = arith.constant 0 : i32
    %dma_wait3A_320 = tpu.memref_slice %arg3[%dma_wait3A_319] : memref<1000000xf32, #tpu.memory_space<hbm>> -> memref<1000000xf32, #tpu.memory_space<hbm>>
    tpu.wait_indirect_dma semaphore(%arg8 : memref<!tpu.dma_semaphore, #tpu.memory_space<semaphore_mem>>) src(%dma_wait3A_320 : memref<1000000xf32, #tpu.memory_space<hbm>>) dst(%dma_wait3A_315 : memref<128xf32, #tpu.memory_space<vmem>>)
    %dma_wait3A_321 = arith.constant 14 : i32
    %dma_wait3A_322 = arith.constant 1792 : i32
    %dma_wait3A_323 = tpu.memref_slice %arg6[%dma_wait3A_322] : memref<3328xf32, #tpu.memory_space<vmem>> -> memref<128xf32, #tpu.memory_space<vmem>>
    %dma_wait3A_324 = arith.constant 0 : i32
    %dma_wait3A_325 = tpu.memref_slice %arg5[%dma_wait3A_321, %dma_wait3A_324] : memref<26x128xi32, #tpu.memory_space<vmem>> -> memref<1x128xi32, #tpu.memory_space<vmem>>
    %dma_wait3A_326 = tpu.memref_squeeze %dma_wait3A_325 : memref<1x128xi32, #tpu.memory_space<vmem>> -> memref<128xi32, #tpu.memory_space<vmem>>
    %dma_wait3A_327 = arith.constant 0 : i32
    %dma_wait3A_328 = tpu.memref_slice %arg3[%dma_wait3A_327] : memref<1000000xf32, #tpu.memory_space<hbm>> -> memref<1000000xf32, #tpu.memory_space<hbm>>
    tpu.wait_indirect_dma semaphore(%arg8 : memref<!tpu.dma_semaphore, #tpu.memory_space<semaphore_mem>>) src(%dma_wait3A_328 : memref<1000000xf32, #tpu.memory_space<hbm>>) dst(%dma_wait3A_323 : memref<128xf32, #tpu.memory_space<vmem>>)
    %dma_wait3A_329 = arith.constant 15 : i32
    %dma_wait3A_330 = arith.constant 1920 : i32
    %dma_wait3A_331 = tpu.memref_slice %arg6[%dma_wait3A_330] : memref<3328xf32, #tpu.memory_space<vmem>> -> memref<128xf32, #tpu.memory_space<vmem>>
    %dma_wait3A_332 = arith.constant 0 : i32
    %dma_wait3A_333 = tpu.memref_slice %arg5[%dma_wait3A_329, %dma_wait3A_332] : memref<26x128xi32, #tpu.memory_space<vmem>> -> memref<1x128xi32, #tpu.memory_space<vmem>>
    %dma_wait3A_334 = tpu.memref_squeeze %dma_wait3A_333 : memref<1x128xi32, #tpu.memory_space<vmem>> -> memref<128xi32, #tpu.memory_space<vmem>>
    %dma_wait3A_335 = arith.constant 0 : i32
    %dma_wait3A_336 = tpu.memref_slice %arg3[%dma_wait3A_335] : memref<1000000xf32, #tpu.memory_space<hbm>> -> memref<1000000xf32, #tpu.memory_space<hbm>>
    tpu.wait_indirect_dma semaphore(%arg8 : memref<!tpu.dma_semaphore, #tpu.memory_space<semaphore_mem>>) src(%dma_wait3A_336 : memref<1000000xf32, #tpu.memory_space<hbm>>) dst(%dma_wait3A_331 : memref<128xf32, #tpu.memory_space<vmem>>)
    %dma_wait3A_337 = arith.constant 16 : i32
    %dma_wait3A_338 = arith.constant 2048 : i32
    %dma_wait3A_339 = tpu.memref_slice %arg6[%dma_wait3A_338] : memref<3328xf32, #tpu.memory_space<vmem>> -> memref<128xf32, #tpu.memory_space<vmem>>
    %dma_wait3A_340 = arith.constant 0 : i32
    %dma_wait3A_341 = tpu.memref_slice %arg5[%dma_wait3A_337, %dma_wait3A_340] : memref<26x128xi32, #tpu.memory_space<vmem>> -> memref<1x128xi32, #tpu.memory_space<vmem>>
    %dma_wait3A_342 = tpu.memref_squeeze %dma_wait3A_341 : memref<1x128xi32, #tpu.memory_space<vmem>> -> memref<128xi32, #tpu.memory_space<vmem>>
    %dma_wait3A_343 = arith.constant 0 : i32
    %dma_wait3A_344 = tpu.memref_slice %arg3[%dma_wait3A_343] : memref<1000000xf32, #tpu.memory_space<hbm>> -> memref<1000000xf32, #tpu.memory_space<hbm>>
    tpu.wait_indirect_dma semaphore(%arg8 : memref<!tpu.dma_semaphore, #tpu.memory_space<semaphore_mem>>) src(%dma_wait3A_344 : memref<1000000xf32, #tpu.memory_space<hbm>>) dst(%dma_wait3A_339 : memref<128xf32, #tpu.memory_space<vmem>>)
    %dma_wait3A_345 = arith.constant 17 : i32
    %dma_wait3A_346 = arith.constant 2176 : i32
    %dma_wait3A_347 = tpu.memref_slice %arg6[%dma_wait3A_346] : memref<3328xf32, #tpu.memory_space<vmem>> -> memref<128xf32, #tpu.memory_space<vmem>>
    %dma_wait3A_348 = arith.constant 0 : i32
    %dma_wait3A_349 = tpu.memref_slice %arg5[%dma_wait3A_345, %dma_wait3A_348] : memref<26x128xi32, #tpu.memory_space<vmem>> -> memref<1x128xi32, #tpu.memory_space<vmem>>
    %dma_wait3A_350 = tpu.memref_squeeze %dma_wait3A_349 : memref<1x128xi32, #tpu.memory_space<vmem>> -> memref<128xi32, #tpu.memory_space<vmem>>
    %dma_wait3A_351 = arith.constant 0 : i32
    %dma_wait3A_352 = tpu.memref_slice %arg3[%dma_wait3A_351] : memref<1000000xf32, #tpu.memory_space<hbm>> -> memref<1000000xf32, #tpu.memory_space<hbm>>
    tpu.wait_indirect_dma semaphore(%arg8 : memref<!tpu.dma_semaphore, #tpu.memory_space<semaphore_mem>>) src(%dma_wait3A_352 : memref<1000000xf32, #tpu.memory_space<hbm>>) dst(%dma_wait3A_347 : memref<128xf32, #tpu.memory_space<vmem>>)
    %dma_wait3A_353 = arith.constant 18 : i32
    %dma_wait3A_354 = arith.constant 2304 : i32
    %dma_wait3A_355 = tpu.memref_slice %arg6[%dma_wait3A_354] : memref<3328xf32, #tpu.memory_space<vmem>> -> memref<128xf32, #tpu.memory_space<vmem>>
    %dma_wait3A_356 = arith.constant 0 : i32
    %dma_wait3A_357 = tpu.memref_slice %arg5[%dma_wait3A_353, %dma_wait3A_356] : memref<26x128xi32, #tpu.memory_space<vmem>> -> memref<1x128xi32, #tpu.memory_space<vmem>>
    %dma_wait3A_358 = tpu.memref_squeeze %dma_wait3A_357 : memref<1x128xi32, #tpu.memory_space<vmem>> -> memref<128xi32, #tpu.memory_space<vmem>>
    %dma_wait3A_359 = arith.constant 0 : i32
    %dma_wait3A_360 = tpu.memref_slice %arg3[%dma_wait3A_359] : memref<1000000xf32, #tpu.memory_space<hbm>> -> memref<1000000xf32, #tpu.memory_space<hbm>>
    tpu.wait_indirect_dma semaphore(%arg8 : memref<!tpu.dma_semaphore, #tpu.memory_space<semaphore_mem>>) src(%dma_wait3A_360 : memref<1000000xf32, #tpu.memory_space<hbm>>) dst(%dma_wait3A_355 : memref<128xf32, #tpu.memory_space<vmem>>)
    %dma_wait3A_361 = arith.constant 19 : i32
    %dma_wait3A_362 = arith.constant 2432 : i32
    %dma_wait3A_363 = tpu.memref_slice %arg6[%dma_wait3A_362] : memref<3328xf32, #tpu.memory_space<vmem>> -> memref<128xf32, #tpu.memory_space<vmem>>
    %dma_wait3A_364 = arith.constant 0 : i32
    %dma_wait3A_365 = tpu.memref_slice %arg5[%dma_wait3A_361, %dma_wait3A_364] : memref<26x128xi32, #tpu.memory_space<vmem>> -> memref<1x128xi32, #tpu.memory_space<vmem>>
    %dma_wait3A_366 = tpu.memref_squeeze %dma_wait3A_365 : memref<1x128xi32, #tpu.memory_space<vmem>> -> memref<128xi32, #tpu.memory_space<vmem>>
    %dma_wait3A_367 = arith.constant 0 : i32
    %dma_wait3A_368 = tpu.memref_slice %arg3[%dma_wait3A_367] : memref<1000000xf32, #tpu.memory_space<hbm>> -> memref<1000000xf32, #tpu.memory_space<hbm>>
    tpu.wait_indirect_dma semaphore(%arg8 : memref<!tpu.dma_semaphore, #tpu.memory_space<semaphore_mem>>) src(%dma_wait3A_368 : memref<1000000xf32, #tpu.memory_space<hbm>>) dst(%dma_wait3A_363 : memref<128xf32, #tpu.memory_space<vmem>>)
    %dma_wait3A_369 = arith.constant 20 : i32
    %dma_wait3A_370 = arith.constant 2560 : i32
    %dma_wait3A_371 = tpu.memref_slice %arg6[%dma_wait3A_370] : memref<3328xf32, #tpu.memory_space<vmem>> -> memref<128xf32, #tpu.memory_space<vmem>>
    %dma_wait3A_372 = arith.constant 0 : i32
    %dma_wait3A_373 = tpu.memref_slice %arg5[%dma_wait3A_369, %dma_wait3A_372] : memref<26x128xi32, #tpu.memory_space<vmem>> -> memref<1x128xi32, #tpu.memory_space<vmem>>
    %dma_wait3A_374 = tpu.memref_squeeze %dma_wait3A_373 : memref<1x128xi32, #tpu.memory_space<vmem>> -> memref<128xi32, #tpu.memory_space<vmem>>
    %dma_wait3A_375 = arith.constant 0 : i32
    %dma_wait3A_376 = tpu.memref_slice %arg3[%dma_wait3A_375] : memref<1000000xf32, #tpu.memory_space<hbm>> -> memref<1000000xf32, #tpu.memory_space<hbm>>
    tpu.wait_indirect_dma semaphore(%arg8 : memref<!tpu.dma_semaphore, #tpu.memory_space<semaphore_mem>>) src(%dma_wait3A_376 : memref<1000000xf32, #tpu.memory_space<hbm>>) dst(%dma_wait3A_371 : memref<128xf32, #tpu.memory_space<vmem>>)
    %dma_wait3A_377 = arith.constant 21 : i32
    %dma_wait3A_378 = arith.constant 2688 : i32
    %dma_wait3A_379 = tpu.memref_slice %arg6[%dma_wait3A_378] : memref<3328xf32, #tpu.memory_space<vmem>> -> memref<128xf32, #tpu.memory_space<vmem>>
    %dma_wait3A_380 = arith.constant 0 : i32
    %dma_wait3A_381 = tpu.memref_slice %arg5[%dma_wait3A_377, %dma_wait3A_380] : memref<26x128xi32, #tpu.memory_space<vmem>> -> memref<1x128xi32, #tpu.memory_space<vmem>>
    %dma_wait3A_382 = tpu.memref_squeeze %dma_wait3A_381 : memref<1x128xi32, #tpu.memory_space<vmem>> -> memref<128xi32, #tpu.memory_space<vmem>>
    %dma_wait3A_383 = arith.constant 0 : i32
    %dma_wait3A_384 = tpu.memref_slice %arg3[%dma_wait3A_383] : memref<1000000xf32, #tpu.memory_space<hbm>> -> memref<1000000xf32, #tpu.memory_space<hbm>>
    tpu.wait_indirect_dma semaphore(%arg8 : memref<!tpu.dma_semaphore, #tpu.memory_space<semaphore_mem>>) src(%dma_wait3A_384 : memref<1000000xf32, #tpu.memory_space<hbm>>) dst(%dma_wait3A_379 : memref<128xf32, #tpu.memory_space<vmem>>)
    %dma_wait3A_385 = arith.constant 22 : i32
    %dma_wait3A_386 = arith.constant 2816 : i32
    %dma_wait3A_387 = tpu.memref_slice %arg6[%dma_wait3A_386] : memref<3328xf32, #tpu.memory_space<vmem>> -> memref<128xf32, #tpu.memory_space<vmem>>
    %dma_wait3A_388 = arith.constant 0 : i32
    %dma_wait3A_389 = tpu.memref_slice %arg5[%dma_wait3A_385, %dma_wait3A_388] : memref<26x128xi32, #tpu.memory_space<vmem>> -> memref<1x128xi32, #tpu.memory_space<vmem>>
    %dma_wait3A_390 = tpu.memref_squeeze %dma_wait3A_389 : memref<1x128xi32, #tpu.memory_space<vmem>> -> memref<128xi32, #tpu.memory_space<vmem>>
    %dma_wait3A_391 = arith.constant 0 : i32
    %dma_wait3A_392 = tpu.memref_slice %arg3[%dma_wait3A_391] : memref<1000000xf32, #tpu.memory_space<hbm>> -> memref<1000000xf32, #tpu.memory_space<hbm>>
    tpu.wait_indirect_dma semaphore(%arg8 : memref<!tpu.dma_semaphore, #tpu.memory_space<semaphore_mem>>) src(%dma_wait3A_392 : memref<1000000xf32, #tpu.memory_space<hbm>>) dst(%dma_wait3A_387 : memref<128xf32, #tpu.memory_space<vmem>>)
    %dma_wait3A_393 = arith.constant 23 : i32
    %dma_wait3A_394 = arith.constant 2944 : i32
    %dma_wait3A_395 = tpu.memref_slice %arg6[%dma_wait3A_394] : memref<3328xf32, #tpu.memory_space<vmem>> -> memref<128xf32, #tpu.memory_space<vmem>>
    %dma_wait3A_396 = arith.constant 0 : i32
    %dma_wait3A_397 = tpu.memref_slice %arg5[%dma_wait3A_393, %dma_wait3A_396] : memref<26x128xi32, #tpu.memory_space<vmem>> -> memref<1x128xi32, #tpu.memory_space<vmem>>
    %dma_wait3A_398 = tpu.memref_squeeze %dma_wait3A_397 : memref<1x128xi32, #tpu.memory_space<vmem>> -> memref<128xi32, #tpu.memory_space<vmem>>
    %dma_wait3A_399 = arith.constant 0 : i32
    %dma_wait3A_400 = tpu.memref_slice %arg3[%dma_wait3A_399] : memref<1000000xf32, #tpu.memory_space<hbm>> -> memref<1000000xf32, #tpu.memory_space<hbm>>
    tpu.wait_indirect_dma semaphore(%arg8 : memref<!tpu.dma_semaphore, #tpu.memory_space<semaphore_mem>>) src(%dma_wait3A_400 : memref<1000000xf32, #tpu.memory_space<hbm>>) dst(%dma_wait3A_395 : memref<128xf32, #tpu.memory_space<vmem>>)
    %dma_wait3A_401 = arith.constant 24 : i32
    %dma_wait3A_402 = arith.constant 3072 : i32
    %dma_wait3A_403 = tpu.memref_slice %arg6[%dma_wait3A_402] : memref<3328xf32, #tpu.memory_space<vmem>> -> memref<128xf32, #tpu.memory_space<vmem>>
    %dma_wait3A_404 = arith.constant 0 : i32
    %dma_wait3A_405 = tpu.memref_slice %arg5[%dma_wait3A_401, %dma_wait3A_404] : memref<26x128xi32, #tpu.memory_space<vmem>> -> memref<1x128xi32, #tpu.memory_space<vmem>>
    %dma_wait3A_406 = tpu.memref_squeeze %dma_wait3A_405 : memref<1x128xi32, #tpu.memory_space<vmem>> -> memref<128xi32, #tpu.memory_space<vmem>>
    %dma_wait3A_407 = arith.constant 0 : i32
    %dma_wait3A_408 = tpu.memref_slice %arg3[%dma_wait3A_407] : memref<1000000xf32, #tpu.memory_space<hbm>> -> memref<1000000xf32, #tpu.memory_space<hbm>>
    tpu.wait_indirect_dma semaphore(%arg8 : memref<!tpu.dma_semaphore, #tpu.memory_space<semaphore_mem>>) src(%dma_wait3A_408 : memref<1000000xf32, #tpu.memory_space<hbm>>) dst(%dma_wait3A_403 : memref<128xf32, #tpu.memory_space<vmem>>)
    %dma_wait3A_409 = arith.constant 25 : i32
    %dma_wait3A_410 = arith.constant 3200 : i32
    %dma_wait3A_411 = tpu.memref_slice %arg6[%dma_wait3A_410] : memref<3328xf32, #tpu.memory_space<vmem>> -> memref<128xf32, #tpu.memory_space<vmem>>
    %dma_wait3A_412 = arith.constant 0 : i32
    %dma_wait3A_413 = tpu.memref_slice %arg5[%dma_wait3A_409, %dma_wait3A_412] : memref<26x128xi32, #tpu.memory_space<vmem>> -> memref<1x128xi32, #tpu.memory_space<vmem>>
    %dma_wait3A_414 = tpu.memref_squeeze %dma_wait3A_413 : memref<1x128xi32, #tpu.memory_space<vmem>> -> memref<128xi32, #tpu.memory_space<vmem>>
    %dma_wait3A_415 = arith.constant 0 : i32
    %dma_wait3A_416 = tpu.memref_slice %arg3[%dma_wait3A_415] : memref<1000000xf32, #tpu.memory_space<hbm>> -> memref<1000000xf32, #tpu.memory_space<hbm>>
    tpu.wait_indirect_dma semaphore(%arg8 : memref<!tpu.dma_semaphore, #tpu.memory_space<semaphore_mem>>) src(%dma_wait3A_416 : memref<1000000xf32, #tpu.memory_space<hbm>>) dst(%dma_wait3A_411 : memref<128xf32, #tpu.memory_space<vmem>>)
    %get3A = arith.constant 0 : index
    %get3A_417 = tpu.vector_load %arg6[%get3A] {strides = array<i32>} : memref<3328xf32, #tpu.memory_space<vmem>>, vector<16xf32>,
    %get3A_418 = vector.shape_cast %get3A_417 : vector<16xf32> to vector<16xf32>
    %get3A_419 = arith.constant 128 : index
    %get3A_420 = tpu.vector_load %arg6[%get3A_419] {strides = array<i32>} : memref<3328xf32, #tpu.memory_space<vmem>>, vector<16xf32>,
    %get3A_421 = vector.shape_cast %get3A_420 : vector<16xf32> to vector<16xf32>
    %add3A_422 = arith.addf %get3A_418, %get3A_421 : vector<16xf32>
    %get3A_423 = arith.constant 256 : index
    %get3A_424 = tpu.vector_load %arg6[%get3A_423] {strides = array<i32>} : memref<3328xf32, #tpu.memory_space<vmem>>, vector<16xf32>,
    %get3A_425 = vector.shape_cast %get3A_424 : vector<16xf32> to vector<16xf32>
    %add3A_426 = arith.addf %add3A_422, %get3A_425 : vector<16xf32>
    %get3A_427 = arith.constant 384 : index
    %get3A_428 = tpu.vector_load %arg6[%get3A_427] {strides = array<i32>} : memref<3328xf32, #tpu.memory_space<vmem>>, vector<16xf32>,
    %get3A_429 = vector.shape_cast %get3A_428 : vector<16xf32> to vector<16xf32>
    %add3A_430 = arith.addf %add3A_426, %get3A_429 : vector<16xf32>
    %get3A_431 = arith.constant 512 : index
    %get3A_432 = tpu.vector_load %arg6[%get3A_431] {strides = array<i32>} : memref<3328xf32, #tpu.memory_space<vmem>>, vector<16xf32>,
    %get3A_433 = vector.shape_cast %get3A_432 : vector<16xf32> to vector<16xf32>
    %add3A_434 = arith.addf %add3A_430, %get3A_433 : vector<16xf32>
    %get3A_435 = arith.constant 640 : index
    %get3A_436 = tpu.vector_load %arg6[%get3A_435] {strides = array<i32>} : memref<3328xf32, #tpu.memory_space<vmem>>, vector<16xf32>,
    %get3A_437 = vector.shape_cast %get3A_436 : vector<16xf32> to vector<16xf32>
    %add3A_438 = arith.addf %add3A_434, %get3A_437 : vector<16xf32>
    %get3A_439 = arith.constant 768 : index
    %get3A_440 = tpu.vector_load %arg6[%get3A_439] {strides = array<i32>} : memref<3328xf32, #tpu.memory_space<vmem>>, vector<16xf32>,
    %get3A_441 = vector.shape_cast %get3A_440 : vector<16xf32> to vector<16xf32>
    %add3A_442 = arith.addf %add3A_438, %get3A_441 : vector<16xf32>
    %get3A_443 = arith.constant 896 : index
    %get3A_444 = tpu.vector_load %arg6[%get3A_443] {strides = array<i32>} : memref<3328xf32, #tpu.memory_space<vmem>>, vector<16xf32>,
    %get3A_445 = vector.shape_cast %get3A_444 : vector<16xf32> to vector<16xf32>
    %add3A_446 = arith.addf %add3A_442, %get3A_445 : vector<16xf32>
    %get3A_447 = arith.constant 1024 : index
    %get3A_448 = tpu.vector_load %arg6[%get3A_447] {strides = array<i32>} : memref<3328xf32, #tpu.memory_space<vmem>>, vector<16xf32>,
    %get3A_449 = vector.shape_cast %get3A_448 : vector<16xf32> to vector<16xf32>
    %add3A_450 = arith.addf %add3A_446, %get3A_449 : vector<16xf32>
    %get3A_451 = arith.constant 1152 : index
    %get3A_452 = tpu.vector_load %arg6[%get3A_451] {strides = array<i32>} : memref<3328xf32, #tpu.memory_space<vmem>>, vector<16xf32>,
    %get3A_453 = vector.shape_cast %get3A_452 : vector<16xf32> to vector<16xf32>
    %add3A_454 = arith.addf %add3A_450, %get3A_453 : vector<16xf32>
    %get3A_455 = arith.constant 1280 : index
    %get3A_456 = tpu.vector_load %arg6[%get3A_455] {strides = array<i32>} : memref<3328xf32, #tpu.memory_space<vmem>>, vector<16xf32>,
    %get3A_457 = vector.shape_cast %get3A_456 : vector<16xf32> to vector<16xf32>
    %add3A_458 = arith.addf %add3A_454, %get3A_457 : vector<16xf32>
    %get3A_459 = arith.constant 1408 : index
    %get3A_460 = tpu.vector_load %arg6[%get3A_459] {strides = array<i32>} : memref<3328xf32, #tpu.memory_space<vmem>>, vector<16xf32>,
    %get3A_461 = vector.shape_cast %get3A_460 : vector<16xf32> to vector<16xf32>
    %add3A_462 = arith.addf %add3A_458, %get3A_461 : vector<16xf32>
    %get3A_463 = arith.constant 1536 : index
    %get3A_464 = tpu.vector_load %arg6[%get3A_463] {strides = array<i32>} : memref<3328xf32, #tpu.memory_space<vmem>>, vector<16xf32>,
    %get3A_465 = vector.shape_cast %get3A_464 : vector<16xf32> to vector<16xf32>
    %add3A_466 = arith.addf %add3A_462, %get3A_465 : vector<16xf32>
    %get3A_467 = arith.constant 1664 : index
    %get3A_468 = tpu.vector_load %arg6[%get3A_467] {strides = array<i32>} : memref<3328xf32, #tpu.memory_space<vmem>>, vector<16xf32>,
    %get3A_469 = vector.shape_cast %get3A_468 : vector<16xf32> to vector<16xf32>
    %add3A_470 = arith.addf %add3A_466, %get3A_469 : vector<16xf32>
    %get3A_471 = arith.constant 1792 : index
    %get3A_472 = tpu.vector_load %arg6[%get3A_471] {strides = array<i32>} : memref<3328xf32, #tpu.memory_space<vmem>>, vector<16xf32>,
    %get3A_473 = vector.shape_cast %get3A_472 : vector<16xf32> to vector<16xf32>
    %add3A_474 = arith.addf %add3A_470, %get3A_473 : vector<16xf32>
    %get3A_475 = arith.constant 1920 : index
    %get3A_476 = tpu.vector_load %arg6[%get3A_475] {strides = array<i32>} : memref<3328xf32, #tpu.memory_space<vmem>>, vector<16xf32>,
    %get3A_477 = vector.shape_cast %get3A_476 : vector<16xf32> to vector<16xf32>
    %add3A_478 = arith.addf %add3A_474, %get3A_477 : vector<16xf32>
    %get3A_479 = arith.constant 2048 : index
    %get3A_480 = tpu.vector_load %arg6[%get3A_479] {strides = array<i32>} : memref<3328xf32, #tpu.memory_space<vmem>>, vector<16xf32>,
    %get3A_481 = vector.shape_cast %get3A_480 : vector<16xf32> to vector<16xf32>
    %add3A_482 = arith.addf %add3A_478, %get3A_481 : vector<16xf32>
    %get3A_483 = arith.constant 2176 : index
    %get3A_484 = tpu.vector_load %arg6[%get3A_483] {strides = array<i32>} : memref<3328xf32, #tpu.memory_space<vmem>>, vector<16xf32>,
    %get3A_485 = vector.shape_cast %get3A_484 : vector<16xf32> to vector<16xf32>
    %add3A_486 = arith.addf %add3A_482, %get3A_485 : vector<16xf32>
    %get3A_487 = arith.constant 2304 : index
    %get3A_488 = tpu.vector_load %arg6[%get3A_487] {strides = array<i32>} : memref<3328xf32, #tpu.memory_space<vmem>>, vector<16xf32>,
    %get3A_489 = vector.shape_cast %get3A_488 : vector<16xf32> to vector<16xf32>
    %add3A_490 = arith.addf %add3A_486, %get3A_489 : vector<16xf32>
    %get3A_491 = arith.constant 2432 : index
    %get3A_492 = tpu.vector_load %arg6[%get3A_491] {strides = array<i32>} : memref<3328xf32, #tpu.memory_space<vmem>>, vector<16xf32>,
    %get3A_493 = vector.shape_cast %get3A_492 : vector<16xf32> to vector<16xf32>
    %add3A_494 = arith.addf %add3A_490, %get3A_493 : vector<16xf32>
    %get3A_495 = arith.constant 2560 : index
    %get3A_496 = tpu.vector_load %arg6[%get3A_495] {strides = array<i32>} : memref<3328xf32, #tpu.memory_space<vmem>>, vector<16xf32>,
    %get3A_497 = vector.shape_cast %get3A_496 : vector<16xf32> to vector<16xf32>
    %add3A_498 = arith.addf %add3A_494, %get3A_497 : vector<16xf32>
    %get3A_499 = arith.constant 2688 : index
    %get3A_500 = tpu.vector_load %arg6[%get3A_499] {strides = array<i32>} : memref<3328xf32, #tpu.memory_space<vmem>>, vector<16xf32>,
    %get3A_501 = vector.shape_cast %get3A_500 : vector<16xf32> to vector<16xf32>
    %add3A_502 = arith.addf %add3A_498, %get3A_501 : vector<16xf32>
    %get3A_503 = arith.constant 2816 : index
    %get3A_504 = tpu.vector_load %arg6[%get3A_503] {strides = array<i32>} : memref<3328xf32, #tpu.memory_space<vmem>>, vector<16xf32>,
    %get3A_505 = vector.shape_cast %get3A_504 : vector<16xf32> to vector<16xf32>
    %add3A_506 = arith.addf %add3A_502, %get3A_505 : vector<16xf32>
    %get3A_507 = arith.constant 2944 : index
    %get3A_508 = tpu.vector_load %arg6[%get3A_507] {strides = array<i32>} : memref<3328xf32, #tpu.memory_space<vmem>>, vector<16xf32>,
    %get3A_509 = vector.shape_cast %get3A_508 : vector<16xf32> to vector<16xf32>
    %add3A_510 = arith.addf %add3A_506, %get3A_509 : vector<16xf32>
    %get3A_511 = arith.constant 3072 : index
    %get3A_512 = tpu.vector_load %arg6[%get3A_511] {strides = array<i32>} : memref<3328xf32, #tpu.memory_space<vmem>>, vector<16xf32>,
    %get3A_513 = vector.shape_cast %get3A_512 : vector<16xf32> to vector<16xf32>
    %add3A_514 = arith.addf %add3A_510, %get3A_513 : vector<16xf32>
    %get3A_515 = arith.constant 3200 : index
    %get3A_516 = tpu.vector_load %arg6[%get3A_515] {strides = array<i32>} : memref<3328xf32, #tpu.memory_space<vmem>>, vector<16xf32>,
    %get3A_517 = vector.shape_cast %get3A_516 : vector<16xf32> to vector<16xf32>
    %add3A_518 = arith.addf %add3A_514, %get3A_517 : vector<16xf32>
    %swap3A = arith.constant 0 : index
    %swap3A_519 = tpu.vector_load %arg7[%swap3A] {strides = array<i32>} : memref<128xf32, #tpu.memory_space<vmem>>, vector<16xf32>,
    %swap3A_520 = vector.shape_cast %swap3A_519 : vector<16xf32> to vector<16xf32>
    %swap3A_521 = vector.shape_cast %add3A_518 : vector<16xf32> to vector<16xf32>
    tpu.vector_store %arg7[%swap3A], %swap3A_521 {strides = array<i32>} : memref<128xf32, #tpu.memory_space<vmem>>, vector<16xf32>,
    %get3A_522 = arith.constant 16 : index
    %get3A_523 = tpu.vector_load %arg6[%get3A_522] {strides = array<i32>} : memref<3328xf32, #tpu.memory_space<vmem>>, vector<16xf32>,
    %get3A_524 = vector.shape_cast %get3A_523 : vector<16xf32> to vector<16xf32>
    %get3A_525 = arith.constant 144 : index
    %get3A_526 = tpu.vector_load %arg6[%get3A_525] {strides = array<i32>} : memref<3328xf32, #tpu.memory_space<vmem>>, vector<16xf32>,
    %get3A_527 = vector.shape_cast %get3A_526 : vector<16xf32> to vector<16xf32>
    %add3A_528 = arith.addf %get3A_524, %get3A_527 : vector<16xf32>
    %get3A_529 = arith.constant 272 : index
    %get3A_530 = tpu.vector_load %arg6[%get3A_529] {strides = array<i32>} : memref<3328xf32, #tpu.memory_space<vmem>>, vector<16xf32>,
    %get3A_531 = vector.shape_cast %get3A_530 : vector<16xf32> to vector<16xf32>
    %add3A_532 = arith.addf %add3A_528, %get3A_531 : vector<16xf32>
    %get3A_533 = arith.constant 400 : index
    %get3A_534 = tpu.vector_load %arg6[%get3A_533] {strides = array<i32>} : memref<3328xf32, #tpu.memory_space<vmem>>, vector<16xf32>,
    %get3A_535 = vector.shape_cast %get3A_534 : vector<16xf32> to vector<16xf32>
    %add3A_536 = arith.addf %add3A_532, %get3A_535 : vector<16xf32>
    %get3A_537 = arith.constant 528 : index
    %get3A_538 = tpu.vector_load %arg6[%get3A_537] {strides = array<i32>} : memref<3328xf32, #tpu.memory_space<vmem>>, vector<16xf32>,
    %get3A_539 = vector.shape_cast %get3A_538 : vector<16xf32> to vector<16xf32>
    %add3A_540 = arith.addf %add3A_536, %get3A_539 : vector<16xf32>
    %get3A_541 = arith.constant 656 : index
    %get3A_542 = tpu.vector_load %arg6[%get3A_541] {strides = array<i32>} : memref<3328xf32, #tpu.memory_space<vmem>>, vector<16xf32>,
    %get3A_543 = vector.shape_cast %get3A_542 : vector<16xf32> to vector<16xf32>
    %add3A_544 = arith.addf %add3A_540, %get3A_543 : vector<16xf32>
    %get3A_545 = arith.constant 784 : index
    %get3A_546 = tpu.vector_load %arg6[%get3A_545] {strides = array<i32>} : memref<3328xf32, #tpu.memory_space<vmem>>, vector<16xf32>,
    %get3A_547 = vector.shape_cast %get3A_546 : vector<16xf32> to vector<16xf32>
    %add3A_548 = arith.addf %add3A_544, %get3A_547 : vector<16xf32>
    %get3A_549 = arith.constant 912 : index
    %get3A_550 = tpu.vector_load %arg6[%get3A_549] {strides = array<i32>} : memref<3328xf32, #tpu.memory_space<vmem>>, vector<16xf32>,
    %get3A_551 = vector.shape_cast %get3A_550 : vector<16xf32> to vector<16xf32>
    %add3A_552 = arith.addf %add3A_548, %get3A_551 : vector<16xf32>
    %get3A_553 = arith.constant 1040 : index
    %get3A_554 = tpu.vector_load %arg6[%get3A_553] {strides = array<i32>} : memref<3328xf32, #tpu.memory_space<vmem>>, vector<16xf32>,
    %get3A_555 = vector.shape_cast %get3A_554 : vector<16xf32> to vector<16xf32>
    %add3A_556 = arith.addf %add3A_552, %get3A_555 : vector<16xf32>
    %get3A_557 = arith.constant 1168 : index
    %get3A_558 = tpu.vector_load %arg6[%get3A_557] {strides = array<i32>} : memref<3328xf32, #tpu.memory_space<vmem>>, vector<16xf32>,
    %get3A_559 = vector.shape_cast %get3A_558 : vector<16xf32> to vector<16xf32>
    %add3A_560 = arith.addf %add3A_556, %get3A_559 : vector<16xf32>
    %get3A_561 = arith.constant 1296 : index
    %get3A_562 = tpu.vector_load %arg6[%get3A_561] {strides = array<i32>} : memref<3328xf32, #tpu.memory_space<vmem>>, vector<16xf32>,
    %get3A_563 = vector.shape_cast %get3A_562 : vector<16xf32> to vector<16xf32>
    %add3A_564 = arith.addf %add3A_560, %get3A_563 : vector<16xf32>
    %get3A_565 = arith.constant 1424 : index
    %get3A_566 = tpu.vector_load %arg6[%get3A_565] {strides = array<i32>} : memref<3328xf32, #tpu.memory_space<vmem>>, vector<16xf32>,
    %get3A_567 = vector.shape_cast %get3A_566 : vector<16xf32> to vector<16xf32>
    %add3A_568 = arith.addf %add3A_564, %get3A_567 : vector<16xf32>
    %get3A_569 = arith.constant 1552 : index
    %get3A_570 = tpu.vector_load %arg6[%get3A_569] {strides = array<i32>} : memref<3328xf32, #tpu.memory_space<vmem>>, vector<16xf32>,
    %get3A_571 = vector.shape_cast %get3A_570 : vector<16xf32> to vector<16xf32>
    %add3A_572 = arith.addf %add3A_568, %get3A_571 : vector<16xf32>
    %get3A_573 = arith.constant 1680 : index
    %get3A_574 = tpu.vector_load %arg6[%get3A_573] {strides = array<i32>} : memref<3328xf32, #tpu.memory_space<vmem>>, vector<16xf32>,
    %get3A_575 = vector.shape_cast %get3A_574 : vector<16xf32> to vector<16xf32>
    %add3A_576 = arith.addf %add3A_572, %get3A_575 : vector<16xf32>
    %get3A_577 = arith.constant 1808 : index
    %get3A_578 = tpu.vector_load %arg6[%get3A_577] {strides = array<i32>} : memref<3328xf32, #tpu.memory_space<vmem>>, vector<16xf32>,
    %get3A_579 = vector.shape_cast %get3A_578 : vector<16xf32> to vector<16xf32>
    %add3A_580 = arith.addf %add3A_576, %get3A_579 : vector<16xf32>
    %get3A_581 = arith.constant 1936 : index
    %get3A_582 = tpu.vector_load %arg6[%get3A_581] {strides = array<i32>} : memref<3328xf32, #tpu.memory_space<vmem>>, vector<16xf32>,
    %get3A_583 = vector.shape_cast %get3A_582 : vector<16xf32> to vector<16xf32>
    %add3A_584 = arith.addf %add3A_580, %get3A_583 : vector<16xf32>
    %get3A_585 = arith.constant 2064 : index
    %get3A_586 = tpu.vector_load %arg6[%get3A_585] {strides = array<i32>} : memref<3328xf32, #tpu.memory_space<vmem>>, vector<16xf32>,
    %get3A_587 = vector.shape_cast %get3A_586 : vector<16xf32> to vector<16xf32>
    %add3A_588 = arith.addf %add3A_584, %get3A_587 : vector<16xf32>
    %get3A_589 = arith.constant 2192 : index
    %get3A_590 = tpu.vector_load %arg6[%get3A_589] {strides = array<i32>} : memref<3328xf32, #tpu.memory_space<vmem>>, vector<16xf32>,
    %get3A_591 = vector.shape_cast %get3A_590 : vector<16xf32> to vector<16xf32>
    %add3A_592 = arith.addf %add3A_588, %get3A_591 : vector<16xf32>
    %get3A_593 = arith.constant 2320 : index
    %get3A_594 = tpu.vector_load %arg6[%get3A_593] {strides = array<i32>} : memref<3328xf32, #tpu.memory_space<vmem>>, vector<16xf32>,
    %get3A_595 = vector.shape_cast %get3A_594 : vector<16xf32> to vector<16xf32>
    %add3A_596 = arith.addf %add3A_592, %get3A_595 : vector<16xf32>
    %get3A_597 = arith.constant 2448 : index
    %get3A_598 = tpu.vector_load %arg6[%get3A_597] {strides = array<i32>} : memref<3328xf32, #tpu.memory_space<vmem>>, vector<16xf32>,
    %get3A_599 = vector.shape_cast %get3A_598 : vector<16xf32> to vector<16xf32>
    %add3A_600 = arith.addf %add3A_596, %get3A_599 : vector<16xf32>
    %get3A_601 = arith.constant 2576 : index
    %get3A_602 = tpu.vector_load %arg6[%get3A_601] {strides = array<i32>} : memref<3328xf32, #tpu.memory_space<vmem>>, vector<16xf32>,
    %get3A_603 = vector.shape_cast %get3A_602 : vector<16xf32> to vector<16xf32>
    %add3A_604 = arith.addf %add3A_600, %get3A_603 : vector<16xf32>
    %get3A_605 = arith.constant 2704 : index
    %get3A_606 = tpu.vector_load %arg6[%get3A_605] {strides = array<i32>} : memref<3328xf32, #tpu.memory_space<vmem>>, vector<16xf32>,
    %get3A_607 = vector.shape_cast %get3A_606 : vector<16xf32> to vector<16xf32>
    %add3A_608 = arith.addf %add3A_604, %get3A_607 : vector<16xf32>
    %get3A_609 = arith.constant 2832 : index
    %get3A_610 = tpu.vector_load %arg6[%get3A_609] {strides = array<i32>} : memref<3328xf32, #tpu.memory_space<vmem>>, vector<16xf32>,
    %get3A_611 = vector.shape_cast %get3A_610 : vector<16xf32> to vector<16xf32>
    %add3A_612 = arith.addf %add3A_608, %get3A_611 : vector<16xf32>
    %get3A_613 = arith.constant 2960 : index
    %get3A_614 = tpu.vector_load %arg6[%get3A_613] {strides = array<i32>} : memref<3328xf32, #tpu.memory_space<vmem>>, vector<16xf32>,
    %get3A_615 = vector.shape_cast %get3A_614 : vector<16xf32> to vector<16xf32>
    %add3A_616 = arith.addf %add3A_612, %get3A_615 : vector<16xf32>
    %get3A_617 = arith.constant 3088 : index
    %get3A_618 = tpu.vector_load %arg6[%get3A_617] {strides = array<i32>} : memref<3328xf32, #tpu.memory_space<vmem>>, vector<16xf32>,
    %get3A_619 = vector.shape_cast %get3A_618 : vector<16xf32> to vector<16xf32>
    %add3A_620 = arith.addf %add3A_616, %get3A_619 : vector<16xf32>
    %get3A_621 = arith.constant 3216 : index
    %get3A_622 = tpu.vector_load %arg6[%get3A_621] {strides = array<i32>} : memref<3328xf32, #tpu.memory_space<vmem>>, vector<16xf32>,
    %get3A_623 = vector.shape_cast %get3A_622 : vector<16xf32> to vector<16xf32>
    %add3A_624 = arith.addf %add3A_620, %get3A_623 : vector<16xf32>
    %swap3A_625 = arith.constant 16 : index
    %swap3A_626 = tpu.vector_load %arg7[%swap3A_625] {strides = array<i32>} : memref<128xf32, #tpu.memory_space<vmem>>, vector<16xf32>,
    %swap3A_627 = vector.shape_cast %swap3A_626 : vector<16xf32> to vector<16xf32>
    %swap3A_628 = vector.shape_cast %add3A_624 : vector<16xf32> to vector<16xf32>
    tpu.vector_store %arg7[%swap3A_625], %swap3A_628 {strides = array<i32>} : memref<128xf32, #tpu.memory_space<vmem>>, vector<16xf32>,
    %get3A_629 = arith.constant 32 : index
    %get3A_630 = tpu.vector_load %arg6[%get3A_629] {strides = array<i32>} : memref<3328xf32, #tpu.memory_space<vmem>>, vector<16xf32>,
    %get3A_631 = vector.shape_cast %get3A_630 : vector<16xf32> to vector<16xf32>
    %get3A_632 = arith.constant 160 : index
    %get3A_633 = tpu.vector_load %arg6[%get3A_632] {strides = array<i32>} : memref<3328xf32, #tpu.memory_space<vmem>>, vector<16xf32>,
    %get3A_634 = vector.shape_cast %get3A_633 : vector<16xf32> to vector<16xf32>
    %add3A_635 = arith.addf %get3A_631, %get3A_634 : vector<16xf32>
    %get3A_636 = arith.constant 288 : index
    %get3A_637 = tpu.vector_load %arg6[%get3A_636] {strides = array<i32>} : memref<3328xf32, #tpu.memory_space<vmem>>, vector<16xf32>,
    %get3A_638 = vector.shape_cast %get3A_637 : vector<16xf32> to vector<16xf32>
    %add3A_639 = arith.addf %add3A_635, %get3A_638 : vector<16xf32>
    %get3A_640 = arith.constant 416 : index
    %get3A_641 = tpu.vector_load %arg6[%get3A_640] {strides = array<i32>} : memref<3328xf32, #tpu.memory_space<vmem>>, vector<16xf32>,
    %get3A_642 = vector.shape_cast %get3A_641 : vector<16xf32> to vector<16xf32>
    %add3A_643 = arith.addf %add3A_639, %get3A_642 : vector<16xf32>
    %get3A_644 = arith.constant 544 : index
    %get3A_645 = tpu.vector_load %arg6[%get3A_644] {strides = array<i32>} : memref<3328xf32, #tpu.memory_space<vmem>>, vector<16xf32>,
    %get3A_646 = vector.shape_cast %get3A_645 : vector<16xf32> to vector<16xf32>
    %add3A_647 = arith.addf %add3A_643, %get3A_646 : vector<16xf32>
    %get3A_648 = arith.constant 672 : index
    %get3A_649 = tpu.vector_load %arg6[%get3A_648] {strides = array<i32>} : memref<3328xf32, #tpu.memory_space<vmem>>, vector<16xf32>,
    %get3A_650 = vector.shape_cast %get3A_649 : vector<16xf32> to vector<16xf32>
    %add3A_651 = arith.addf %add3A_647, %get3A_650 : vector<16xf32>
    %get3A_652 = arith.constant 800 : index
    %get3A_653 = tpu.vector_load %arg6[%get3A_652] {strides = array<i32>} : memref<3328xf32, #tpu.memory_space<vmem>>, vector<16xf32>,
    %get3A_654 = vector.shape_cast %get3A_653 : vector<16xf32> to vector<16xf32>
    %add3A_655 = arith.addf %add3A_651, %get3A_654 : vector<16xf32>
    %get3A_656 = arith.constant 928 : index
    %get3A_657 = tpu.vector_load %arg6[%get3A_656] {strides = array<i32>} : memref<3328xf32, #tpu.memory_space<vmem>>, vector<16xf32>,
    %get3A_658 = vector.shape_cast %get3A_657 : vector<16xf32> to vector<16xf32>
    %add3A_659 = arith.addf %add3A_655, %get3A_658 : vector<16xf32>
    %get3A_660 = arith.constant 1056 : index
    %get3A_661 = tpu.vector_load %arg6[%get3A_660] {strides = array<i32>} : memref<3328xf32, #tpu.memory_space<vmem>>, vector<16xf32>,
    %get3A_662 = vector.shape_cast %get3A_661 : vector<16xf32> to vector<16xf32>
    %add3A_663 = arith.addf %add3A_659, %get3A_662 : vector<16xf32>
    %get3A_664 = arith.constant 1184 : index
    %get3A_665 = tpu.vector_load %arg6[%get3A_664] {strides = array<i32>} : memref<3328xf32, #tpu.memory_space<vmem>>, vector<16xf32>,
    %get3A_666 = vector.shape_cast %get3A_665 : vector<16xf32> to vector<16xf32>
    %add3A_667 = arith.addf %add3A_663, %get3A_666 : vector<16xf32>
    %get3A_668 = arith.constant 1312 : index
    %get3A_669 = tpu.vector_load %arg6[%get3A_668] {strides = array<i32>} : memref<3328xf32, #tpu.memory_space<vmem>>, vector<16xf32>,
    %get3A_670 = vector.shape_cast %get3A_669 : vector<16xf32> to vector<16xf32>
    %add3A_671 = arith.addf %add3A_667, %get3A_670 : vector<16xf32>
    %get3A_672 = arith.constant 1440 : index
    %get3A_673 = tpu.vector_load %arg6[%get3A_672] {strides = array<i32>} : memref<3328xf32, #tpu.memory_space<vmem>>, vector<16xf32>,
    %get3A_674 = vector.shape_cast %get3A_673 : vector<16xf32> to vector<16xf32>
    %add3A_675 = arith.addf %add3A_671, %get3A_674 : vector<16xf32>
    %get3A_676 = arith.constant 1568 : index
    %get3A_677 = tpu.vector_load %arg6[%get3A_676] {strides = array<i32>} : memref<3328xf32, #tpu.memory_space<vmem>>, vector<16xf32>,
    %get3A_678 = vector.shape_cast %get3A_677 : vector<16xf32> to vector<16xf32>
    %add3A_679 = arith.addf %add3A_675, %get3A_678 : vector<16xf32>
    %get3A_680 = arith.constant 1696 : index
    %get3A_681 = tpu.vector_load %arg6[%get3A_680] {strides = array<i32>} : memref<3328xf32, #tpu.memory_space<vmem>>, vector<16xf32>,
    %get3A_682 = vector.shape_cast %get3A_681 : vector<16xf32> to vector<16xf32>
    %add3A_683 = arith.addf %add3A_679, %get3A_682 : vector<16xf32>
    %get3A_684 = arith.constant 1824 : index
    %get3A_685 = tpu.vector_load %arg6[%get3A_684] {strides = array<i32>} : memref<3328xf32, #tpu.memory_space<vmem>>, vector<16xf32>,
    %get3A_686 = vector.shape_cast %get3A_685 : vector<16xf32> to vector<16xf32>
    %add3A_687 = arith.addf %add3A_683, %get3A_686 : vector<16xf32>
    %get3A_688 = arith.constant 1952 : index
    %get3A_689 = tpu.vector_load %arg6[%get3A_688] {strides = array<i32>} : memref<3328xf32, #tpu.memory_space<vmem>>, vector<16xf32>,
    %get3A_690 = vector.shape_cast %get3A_689 : vector<16xf32> to vector<16xf32>
    %add3A_691 = arith.addf %add3A_687, %get3A_690 : vector<16xf32>
    %get3A_692 = arith.constant 2080 : index
    %get3A_693 = tpu.vector_load %arg6[%get3A_692] {strides = array<i32>} : memref<3328xf32, #tpu.memory_space<vmem>>, vector<16xf32>,
    %get3A_694 = vector.shape_cast %get3A_693 : vector<16xf32> to vector<16xf32>
    %add3A_695 = arith.addf %add3A_691, %get3A_694 : vector<16xf32>
    %get3A_696 = arith.constant 2208 : index
    %get3A_697 = tpu.vector_load %arg6[%get3A_696] {strides = array<i32>} : memref<3328xf32, #tpu.memory_space<vmem>>, vector<16xf32>,
    %get3A_698 = vector.shape_cast %get3A_697 : vector<16xf32> to vector<16xf32>
    %add3A_699 = arith.addf %add3A_695, %get3A_698 : vector<16xf32>
    %get3A_700 = arith.constant 2336 : index
    %get3A_701 = tpu.vector_load %arg6[%get3A_700] {strides = array<i32>} : memref<3328xf32, #tpu.memory_space<vmem>>, vector<16xf32>,
    %get3A_702 = vector.shape_cast %get3A_701 : vector<16xf32> to vector<16xf32>
    %add3A_703 = arith.addf %add3A_699, %get3A_702 : vector<16xf32>
    %get3A_704 = arith.constant 2464 : index
    %get3A_705 = tpu.vector_load %arg6[%get3A_704] {strides = array<i32>} : memref<3328xf32, #tpu.memory_space<vmem>>, vector<16xf32>,
    %get3A_706 = vector.shape_cast %get3A_705 : vector<16xf32> to vector<16xf32>
    %add3A_707 = arith.addf %add3A_703, %get3A_706 : vector<16xf32>
    %get3A_708 = arith.constant 2592 : index
    %get3A_709 = tpu.vector_load %arg6[%get3A_708] {strides = array<i32>} : memref<3328xf32, #tpu.memory_space<vmem>>, vector<16xf32>,
    %get3A_710 = vector.shape_cast %get3A_709 : vector<16xf32> to vector<16xf32>
    %add3A_711 = arith.addf %add3A_707, %get3A_710 : vector<16xf32>
    %get3A_712 = arith.constant 2720 : index
    %get3A_713 = tpu.vector_load %arg6[%get3A_712] {strides = array<i32>} : memref<3328xf32, #tpu.memory_space<vmem>>, vector<16xf32>,
    %get3A_714 = vector.shape_cast %get3A_713 : vector<16xf32> to vector<16xf32>
    %add3A_715 = arith.addf %add3A_711, %get3A_714 : vector<16xf32>
    %get3A_716 = arith.constant 2848 : index
    %get3A_717 = tpu.vector_load %arg6[%get3A_716] {strides = array<i32>} : memref<3328xf32, #tpu.memory_space<vmem>>, vector<16xf32>,
    %get3A_718 = vector.shape_cast %get3A_717 : vector<16xf32> to vector<16xf32>
    %add3A_719 = arith.addf %add3A_715, %get3A_718 : vector<16xf32>
    %get3A_720 = arith.constant 2976 : index
    %get3A_721 = tpu.vector_load %arg6[%get3A_720] {strides = array<i32>} : memref<3328xf32, #tpu.memory_space<vmem>>, vector<16xf32>,
    %get3A_722 = vector.shape_cast %get3A_721 : vector<16xf32> to vector<16xf32>
    %add3A_723 = arith.addf %add3A_719, %get3A_722 : vector<16xf32>
    %get3A_724 = arith.constant 3104 : index
    %get3A_725 = tpu.vector_load %arg6[%get3A_724] {strides = array<i32>} : memref<3328xf32, #tpu.memory_space<vmem>>, vector<16xf32>,
    %get3A_726 = vector.shape_cast %get3A_725 : vector<16xf32> to vector<16xf32>
    %add3A_727 = arith.addf %add3A_723, %get3A_726 : vector<16xf32>
    %get3A_728 = arith.constant 3232 : index
    %get3A_729 = tpu.vector_load %arg6[%get3A_728] {strides = array<i32>} : memref<3328xf32, #tpu.memory_space<vmem>>, vector<16xf32>,
    %get3A_730 = vector.shape_cast %get3A_729 : vector<16xf32> to vector<16xf32>
    %add3A_731 = arith.addf %add3A_727, %get3A_730 : vector<16xf32>
    %swap3A_732 = arith.constant 32 : index
    %swap3A_733 = tpu.vector_load %arg7[%swap3A_732] {strides = array<i32>} : memref<128xf32, #tpu.memory_space<vmem>>, vector<16xf32>,
    %swap3A_734 = vector.shape_cast %swap3A_733 : vector<16xf32> to vector<16xf32>
    %swap3A_735 = vector.shape_cast %add3A_731 : vector<16xf32> to vector<16xf32>
    tpu.vector_store %arg7[%swap3A_732], %swap3A_735 {strides = array<i32>} : memref<128xf32, #tpu.memory_space<vmem>>, vector<16xf32>,
    %get3A_736 = arith.constant 48 : index
    %get3A_737 = tpu.vector_load %arg6[%get3A_736] {strides = array<i32>} : memref<3328xf32, #tpu.memory_space<vmem>>, vector<16xf32>,
    %get3A_738 = vector.shape_cast %get3A_737 : vector<16xf32> to vector<16xf32>
    %get3A_739 = arith.constant 176 : index
    %get3A_740 = tpu.vector_load %arg6[%get3A_739] {strides = array<i32>} : memref<3328xf32, #tpu.memory_space<vmem>>, vector<16xf32>,
    %get3A_741 = vector.shape_cast %get3A_740 : vector<16xf32> to vector<16xf32>
    %add3A_742 = arith.addf %get3A_738, %get3A_741 : vector<16xf32>
    %get3A_743 = arith.constant 304 : index
    %get3A_744 = tpu.vector_load %arg6[%get3A_743] {strides = array<i32>} : memref<3328xf32, #tpu.memory_space<vmem>>, vector<16xf32>,
    %get3A_745 = vector.shape_cast %get3A_744 : vector<16xf32> to vector<16xf32>
    %add3A_746 = arith.addf %add3A_742, %get3A_745 : vector<16xf32>
    %get3A_747 = arith.constant 432 : index
    %get3A_748 = tpu.vector_load %arg6[%get3A_747] {strides = array<i32>} : memref<3328xf32, #tpu.memory_space<vmem>>, vector<16xf32>,
    %get3A_749 = vector.shape_cast %get3A_748 : vector<16xf32> to vector<16xf32>
    %add3A_750 = arith.addf %add3A_746, %get3A_749 : vector<16xf32>
    %get3A_751 = arith.constant 560 : index
    %get3A_752 = tpu.vector_load %arg6[%get3A_751] {strides = array<i32>} : memref<3328xf32, #tpu.memory_space<vmem>>, vector<16xf32>,
    %get3A_753 = vector.shape_cast %get3A_752 : vector<16xf32> to vector<16xf32>
    %add3A_754 = arith.addf %add3A_750, %get3A_753 : vector<16xf32>
    %get3A_755 = arith.constant 688 : index
    %get3A_756 = tpu.vector_load %arg6[%get3A_755] {strides = array<i32>} : memref<3328xf32, #tpu.memory_space<vmem>>, vector<16xf32>,
    %get3A_757 = vector.shape_cast %get3A_756 : vector<16xf32> to vector<16xf32>
    %add3A_758 = arith.addf %add3A_754, %get3A_757 : vector<16xf32>
    %get3A_759 = arith.constant 816 : index
    %get3A_760 = tpu.vector_load %arg6[%get3A_759] {strides = array<i32>} : memref<3328xf32, #tpu.memory_space<vmem>>, vector<16xf32>,
    %get3A_761 = vector.shape_cast %get3A_760 : vector<16xf32> to vector<16xf32>
    %add3A_762 = arith.addf %add3A_758, %get3A_761 : vector<16xf32>
    %get3A_763 = arith.constant 944 : index
    %get3A_764 = tpu.vector_load %arg6[%get3A_763] {strides = array<i32>} : memref<3328xf32, #tpu.memory_space<vmem>>, vector<16xf32>,
    %get3A_765 = vector.shape_cast %get3A_764 : vector<16xf32> to vector<16xf32>
    %add3A_766 = arith.addf %add3A_762, %get3A_765 : vector<16xf32>
    %get3A_767 = arith.constant 1072 : index
    %get3A_768 = tpu.vector_load %arg6[%get3A_767] {strides = array<i32>} : memref<3328xf32, #tpu.memory_space<vmem>>, vector<16xf32>,
    %get3A_769 = vector.shape_cast %get3A_768 : vector<16xf32> to vector<16xf32>
    %add3A_770 = arith.addf %add3A_766, %get3A_769 : vector<16xf32>
    %get3A_771 = arith.constant 1200 : index
    %get3A_772 = tpu.vector_load %arg6[%get3A_771] {strides = array<i32>} : memref<3328xf32, #tpu.memory_space<vmem>>, vector<16xf32>,
    %get3A_773 = vector.shape_cast %get3A_772 : vector<16xf32> to vector<16xf32>
    %add3A_774 = arith.addf %add3A_770, %get3A_773 : vector<16xf32>
    %get3A_775 = arith.constant 1328 : index
    %get3A_776 = tpu.vector_load %arg6[%get3A_775] {strides = array<i32>} : memref<3328xf32, #tpu.memory_space<vmem>>, vector<16xf32>,
    %get3A_777 = vector.shape_cast %get3A_776 : vector<16xf32> to vector<16xf32>
    %add3A_778 = arith.addf %add3A_774, %get3A_777 : vector<16xf32>
    %get3A_779 = arith.constant 1456 : index
    %get3A_780 = tpu.vector_load %arg6[%get3A_779] {strides = array<i32>} : memref<3328xf32, #tpu.memory_space<vmem>>, vector<16xf32>,
    %get3A_781 = vector.shape_cast %get3A_780 : vector<16xf32> to vector<16xf32>
    %add3A_782 = arith.addf %add3A_778, %get3A_781 : vector<16xf32>
    %get3A_783 = arith.constant 1584 : index
    %get3A_784 = tpu.vector_load %arg6[%get3A_783] {strides = array<i32>} : memref<3328xf32, #tpu.memory_space<vmem>>, vector<16xf32>,
    %get3A_785 = vector.shape_cast %get3A_784 : vector<16xf32> to vector<16xf32>
    %add3A_786 = arith.addf %add3A_782, %get3A_785 : vector<16xf32>
    %get3A_787 = arith.constant 1712 : index
    %get3A_788 = tpu.vector_load %arg6[%get3A_787] {strides = array<i32>} : memref<3328xf32, #tpu.memory_space<vmem>>, vector<16xf32>,
    %get3A_789 = vector.shape_cast %get3A_788 : vector<16xf32> to vector<16xf32>
    %add3A_790 = arith.addf %add3A_786, %get3A_789 : vector<16xf32>
    %get3A_791 = arith.constant 1840 : index
    %get3A_792 = tpu.vector_load %arg6[%get3A_791] {strides = array<i32>} : memref<3328xf32, #tpu.memory_space<vmem>>, vector<16xf32>,
    %get3A_793 = vector.shape_cast %get3A_792 : vector<16xf32> to vector<16xf32>
    %add3A_794 = arith.addf %add3A_790, %get3A_793 : vector<16xf32>
    %get3A_795 = arith.constant 1968 : index
    %get3A_796 = tpu.vector_load %arg6[%get3A_795] {strides = array<i32>} : memref<3328xf32, #tpu.memory_space<vmem>>, vector<16xf32>,
    %get3A_797 = vector.shape_cast %get3A_796 : vector<16xf32> to vector<16xf32>
    %add3A_798 = arith.addf %add3A_794, %get3A_797 : vector<16xf32>
    %get3A_799 = arith.constant 2096 : index
    %get3A_800 = tpu.vector_load %arg6[%get3A_799] {strides = array<i32>} : memref<3328xf32, #tpu.memory_space<vmem>>, vector<16xf32>,
    %get3A_801 = vector.shape_cast %get3A_800 : vector<16xf32> to vector<16xf32>
    %add3A_802 = arith.addf %add3A_798, %get3A_801 : vector<16xf32>
    %get3A_803 = arith.constant 2224 : index
    %get3A_804 = tpu.vector_load %arg6[%get3A_803] {strides = array<i32>} : memref<3328xf32, #tpu.memory_space<vmem>>, vector<16xf32>,
    %get3A_805 = vector.shape_cast %get3A_804 : vector<16xf32> to vector<16xf32>
    %add3A_806 = arith.addf %add3A_802, %get3A_805 : vector<16xf32>
    %get3A_807 = arith.constant 2352 : index
    %get3A_808 = tpu.vector_load %arg6[%get3A_807] {strides = array<i32>} : memref<3328xf32, #tpu.memory_space<vmem>>, vector<16xf32>,
    %get3A_809 = vector.shape_cast %get3A_808 : vector<16xf32> to vector<16xf32>
    %add3A_810 = arith.addf %add3A_806, %get3A_809 : vector<16xf32>
    %get3A_811 = arith.constant 2480 : index
    %get3A_812 = tpu.vector_load %arg6[%get3A_811] {strides = array<i32>} : memref<3328xf32, #tpu.memory_space<vmem>>, vector<16xf32>,
    %get3A_813 = vector.shape_cast %get3A_812 : vector<16xf32> to vector<16xf32>
    %add3A_814 = arith.addf %add3A_810, %get3A_813 : vector<16xf32>
    %get3A_815 = arith.constant 2608 : index
    %get3A_816 = tpu.vector_load %arg6[%get3A_815] {strides = array<i32>} : memref<3328xf32, #tpu.memory_space<vmem>>, vector<16xf32>,
    %get3A_817 = vector.shape_cast %get3A_816 : vector<16xf32> to vector<16xf32>
    %add3A_818 = arith.addf %add3A_814, %get3A_817 : vector<16xf32>
    %get3A_819 = arith.constant 2736 : index
    %get3A_820 = tpu.vector_load %arg6[%get3A_819] {strides = array<i32>} : memref<3328xf32, #tpu.memory_space<vmem>>, vector<16xf32>,
    %get3A_821 = vector.shape_cast %get3A_820 : vector<16xf32> to vector<16xf32>
    %add3A_822 = arith.addf %add3A_818, %get3A_821 : vector<16xf32>
    %get3A_823 = arith.constant 2864 : index
    %get3A_824 = tpu.vector_load %arg6[%get3A_823] {strides = array<i32>} : memref<3328xf32, #tpu.memory_space<vmem>>, vector<16xf32>,
    %get3A_825 = vector.shape_cast %get3A_824 : vector<16xf32> to vector<16xf32>
    %add3A_826 = arith.addf %add3A_822, %get3A_825 : vector<16xf32>
    %get3A_827 = arith.constant 2992 : index
    %get3A_828 = tpu.vector_load %arg6[%get3A_827] {strides = array<i32>} : memref<3328xf32, #tpu.memory_space<vmem>>, vector<16xf32>,
    %get3A_829 = vector.shape_cast %get3A_828 : vector<16xf32> to vector<16xf32>
    %add3A_830 = arith.addf %add3A_826, %get3A_829 : vector<16xf32>
    %get3A_831 = arith.constant 3120 : index
    %get3A_832 = tpu.vector_load %arg6[%get3A_831] {strides = array<i32>} : memref<3328xf32, #tpu.memory_space<vmem>>, vector<16xf32>,
    %get3A_833 = vector.shape_cast %get3A_832 : vector<16xf32> to vector<16xf32>
    %add3A_834 = arith.addf %add3A_830, %get3A_833 : vector<16xf32>
    %get3A_835 = arith.constant 3248 : index
    %get3A_836 = tpu.vector_load %arg6[%get3A_835] {strides = array<i32>} : memref<3328xf32, #tpu.memory_space<vmem>>, vector<16xf32>,
    %get3A_837 = vector.shape_cast %get3A_836 : vector<16xf32> to vector<16xf32>
    %add3A_838 = arith.addf %add3A_834, %get3A_837 : vector<16xf32>
    %swap3A_839 = arith.constant 48 : index
    %swap3A_840 = tpu.vector_load %arg7[%swap3A_839] {strides = array<i32>} : memref<128xf32, #tpu.memory_space<vmem>>, vector<16xf32>,
    %swap3A_841 = vector.shape_cast %swap3A_840 : vector<16xf32> to vector<16xf32>
    %swap3A_842 = vector.shape_cast %add3A_838 : vector<16xf32> to vector<16xf32>
    tpu.vector_store %arg7[%swap3A_839], %swap3A_842 {strides = array<i32>} : memref<128xf32, #tpu.memory_space<vmem>>, vector<16xf32>,
    %get3A_843 = arith.constant 64 : index
    %get3A_844 = tpu.vector_load %arg6[%get3A_843] {strides = array<i32>} : memref<3328xf32, #tpu.memory_space<vmem>>, vector<16xf32>,
    %get3A_845 = vector.shape_cast %get3A_844 : vector<16xf32> to vector<16xf32>
    %get3A_846 = arith.constant 192 : index
    %get3A_847 = tpu.vector_load %arg6[%get3A_846] {strides = array<i32>} : memref<3328xf32, #tpu.memory_space<vmem>>, vector<16xf32>,
    %get3A_848 = vector.shape_cast %get3A_847 : vector<16xf32> to vector<16xf32>
    %add3A_849 = arith.addf %get3A_845, %get3A_848 : vector<16xf32>
    %get3A_850 = arith.constant 320 : index
    %get3A_851 = tpu.vector_load %arg6[%get3A_850] {strides = array<i32>} : memref<3328xf32, #tpu.memory_space<vmem>>, vector<16xf32>,
    %get3A_852 = vector.shape_cast %get3A_851 : vector<16xf32> to vector<16xf32>
    %add3A_853 = arith.addf %add3A_849, %get3A_852 : vector<16xf32>
    %get3A_854 = arith.constant 448 : index
    %get3A_855 = tpu.vector_load %arg6[%get3A_854] {strides = array<i32>} : memref<3328xf32, #tpu.memory_space<vmem>>, vector<16xf32>,
    %get3A_856 = vector.shape_cast %get3A_855 : vector<16xf32> to vector<16xf32>
    %add3A_857 = arith.addf %add3A_853, %get3A_856 : vector<16xf32>
    %get3A_858 = arith.constant 576 : index
    %get3A_859 = tpu.vector_load %arg6[%get3A_858] {strides = array<i32>} : memref<3328xf32, #tpu.memory_space<vmem>>, vector<16xf32>,
    %get3A_860 = vector.shape_cast %get3A_859 : vector<16xf32> to vector<16xf32>
    %add3A_861 = arith.addf %add3A_857, %get3A_860 : vector<16xf32>
    %get3A_862 = arith.constant 704 : index
    %get3A_863 = tpu.vector_load %arg6[%get3A_862] {strides = array<i32>} : memref<3328xf32, #tpu.memory_space<vmem>>, vector<16xf32>,
    %get3A_864 = vector.shape_cast %get3A_863 : vector<16xf32> to vector<16xf32>
    %add3A_865 = arith.addf %add3A_861, %get3A_864 : vector<16xf32>
    %get3A_866 = arith.constant 832 : index
    %get3A_867 = tpu.vector_load %arg6[%get3A_866] {strides = array<i32>} : memref<3328xf32, #tpu.memory_space<vmem>>, vector<16xf32>,
    %get3A_868 = vector.shape_cast %get3A_867 : vector<16xf32> to vector<16xf32>
    %add3A_869 = arith.addf %add3A_865, %get3A_868 : vector<16xf32>
    %get3A_870 = arith.constant 960 : index
    %get3A_871 = tpu.vector_load %arg6[%get3A_870] {strides = array<i32>} : memref<3328xf32, #tpu.memory_space<vmem>>, vector<16xf32>,
    %get3A_872 = vector.shape_cast %get3A_871 : vector<16xf32> to vector<16xf32>
    %add3A_873 = arith.addf %add3A_869, %get3A_872 : vector<16xf32>
    %get3A_874 = arith.constant 1088 : index
    %get3A_875 = tpu.vector_load %arg6[%get3A_874] {strides = array<i32>} : memref<3328xf32, #tpu.memory_space<vmem>>, vector<16xf32>,
    %get3A_876 = vector.shape_cast %get3A_875 : vector<16xf32> to vector<16xf32>
    %add3A_877 = arith.addf %add3A_873, %get3A_876 : vector<16xf32>
    %get3A_878 = arith.constant 1216 : index
    %get3A_879 = tpu.vector_load %arg6[%get3A_878] {strides = array<i32>} : memref<3328xf32, #tpu.memory_space<vmem>>, vector<16xf32>,
    %get3A_880 = vector.shape_cast %get3A_879 : vector<16xf32> to vector<16xf32>
    %add3A_881 = arith.addf %add3A_877, %get3A_880 : vector<16xf32>
    %get3A_882 = arith.constant 1344 : index
    %get3A_883 = tpu.vector_load %arg6[%get3A_882] {strides = array<i32>} : memref<3328xf32, #tpu.memory_space<vmem>>, vector<16xf32>,
    %get3A_884 = vector.shape_cast %get3A_883 : vector<16xf32> to vector<16xf32>
    %add3A_885 = arith.addf %add3A_881, %get3A_884 : vector<16xf32>
    %get3A_886 = arith.constant 1472 : index
    %get3A_887 = tpu.vector_load %arg6[%get3A_886] {strides = array<i32>} : memref<3328xf32, #tpu.memory_space<vmem>>, vector<16xf32>,
    %get3A_888 = vector.shape_cast %get3A_887 : vector<16xf32> to vector<16xf32>
    %add3A_889 = arith.addf %add3A_885, %get3A_888 : vector<16xf32>
    %get3A_890 = arith.constant 1600 : index
    %get3A_891 = tpu.vector_load %arg6[%get3A_890] {strides = array<i32>} : memref<3328xf32, #tpu.memory_space<vmem>>, vector<16xf32>,
    %get3A_892 = vector.shape_cast %get3A_891 : vector<16xf32> to vector<16xf32>
    %add3A_893 = arith.addf %add3A_889, %get3A_892 : vector<16xf32>
    %get3A_894 = arith.constant 1728 : index
    %get3A_895 = tpu.vector_load %arg6[%get3A_894] {strides = array<i32>} : memref<3328xf32, #tpu.memory_space<vmem>>, vector<16xf32>,
    %get3A_896 = vector.shape_cast %get3A_895 : vector<16xf32> to vector<16xf32>
    %add3A_897 = arith.addf %add3A_893, %get3A_896 : vector<16xf32>
    %get3A_898 = arith.constant 1856 : index
    %get3A_899 = tpu.vector_load %arg6[%get3A_898] {strides = array<i32>} : memref<3328xf32, #tpu.memory_space<vmem>>, vector<16xf32>,
    %get3A_900 = vector.shape_cast %get3A_899 : vector<16xf32> to vector<16xf32>
    %add3A_901 = arith.addf %add3A_897, %get3A_900 : vector<16xf32>
    %get3A_902 = arith.constant 1984 : index
    %get3A_903 = tpu.vector_load %arg6[%get3A_902] {strides = array<i32>} : memref<3328xf32, #tpu.memory_space<vmem>>, vector<16xf32>,
    %get3A_904 = vector.shape_cast %get3A_903 : vector<16xf32> to vector<16xf32>
    %add3A_905 = arith.addf %add3A_901, %get3A_904 : vector<16xf32>
    %get3A_906 = arith.constant 2112 : index
    %get3A_907 = tpu.vector_load %arg6[%get3A_906] {strides = array<i32>} : memref<3328xf32, #tpu.memory_space<vmem>>, vector<16xf32>,
    %get3A_908 = vector.shape_cast %get3A_907 : vector<16xf32> to vector<16xf32>
    %add3A_909 = arith.addf %add3A_905, %get3A_908 : vector<16xf32>
    %get3A_910 = arith.constant 2240 : index
    %get3A_911 = tpu.vector_load %arg6[%get3A_910] {strides = array<i32>} : memref<3328xf32, #tpu.memory_space<vmem>>, vector<16xf32>,
    %get3A_912 = vector.shape_cast %get3A_911 : vector<16xf32> to vector<16xf32>
    %add3A_913 = arith.addf %add3A_909, %get3A_912 : vector<16xf32>
    %get3A_914 = arith.constant 2368 : index
    %get3A_915 = tpu.vector_load %arg6[%get3A_914] {strides = array<i32>} : memref<3328xf32, #tpu.memory_space<vmem>>, vector<16xf32>,
    %get3A_916 = vector.shape_cast %get3A_915 : vector<16xf32> to vector<16xf32>
    %add3A_917 = arith.addf %add3A_913, %get3A_916 : vector<16xf32>
    %get3A_918 = arith.constant 2496 : index
    %get3A_919 = tpu.vector_load %arg6[%get3A_918] {strides = array<i32>} : memref<3328xf32, #tpu.memory_space<vmem>>, vector<16xf32>,
    %get3A_920 = vector.shape_cast %get3A_919 : vector<16xf32> to vector<16xf32>
    %add3A_921 = arith.addf %add3A_917, %get3A_920 : vector<16xf32>
    %get3A_922 = arith.constant 2624 : index
    %get3A_923 = tpu.vector_load %arg6[%get3A_922] {strides = array<i32>} : memref<3328xf32, #tpu.memory_space<vmem>>, vector<16xf32>,
    %get3A_924 = vector.shape_cast %get3A_923 : vector<16xf32> to vector<16xf32>
    %add3A_925 = arith.addf %add3A_921, %get3A_924 : vector<16xf32>
    %get3A_926 = arith.constant 2752 : index
    %get3A_927 = tpu.vector_load %arg6[%get3A_926] {strides = array<i32>} : memref<3328xf32, #tpu.memory_space<vmem>>, vector<16xf32>,
    %get3A_928 = vector.shape_cast %get3A_927 : vector<16xf32> to vector<16xf32>
    %add3A_929 = arith.addf %add3A_925, %get3A_928 : vector<16xf32>
    %get3A_930 = arith.constant 2880 : index
    %get3A_931 = tpu.vector_load %arg6[%get3A_930] {strides = array<i32>} : memref<3328xf32, #tpu.memory_space<vmem>>, vector<16xf32>,
    %get3A_932 = vector.shape_cast %get3A_931 : vector<16xf32> to vector<16xf32>
    %add3A_933 = arith.addf %add3A_929, %get3A_932 : vector<16xf32>
    %get3A_934 = arith.constant 3008 : index
    %get3A_935 = tpu.vector_load %arg6[%get3A_934] {strides = array<i32>} : memref<3328xf32, #tpu.memory_space<vmem>>, vector<16xf32>,
    %get3A_936 = vector.shape_cast %get3A_935 : vector<16xf32> to vector<16xf32>
    %add3A_937 = arith.addf %add3A_933, %get3A_936 : vector<16xf32>
    %get3A_938 = arith.constant 3136 : index
    %get3A_939 = tpu.vector_load %arg6[%get3A_938] {strides = array<i32>} : memref<3328xf32, #tpu.memory_space<vmem>>, vector<16xf32>,
    %get3A_940 = vector.shape_cast %get3A_939 : vector<16xf32> to vector<16xf32>
    %add3A_941 = arith.addf %add3A_937, %get3A_940 : vector<16xf32>
    %get3A_942 = arith.constant 3264 : index
    %get3A_943 = tpu.vector_load %arg6[%get3A_942] {strides = array<i32>} : memref<3328xf32, #tpu.memory_space<vmem>>, vector<16xf32>,
    %get3A_944 = vector.shape_cast %get3A_943 : vector<16xf32> to vector<16xf32>
    %add3A_945 = arith.addf %add3A_941, %get3A_944 : vector<16xf32>
    %swap3A_946 = arith.constant 64 : index
    %swap3A_947 = tpu.vector_load %arg7[%swap3A_946] {strides = array<i32>} : memref<128xf32, #tpu.memory_space<vmem>>, vector<16xf32>,
    %swap3A_948 = vector.shape_cast %swap3A_947 : vector<16xf32> to vector<16xf32>
    %swap3A_949 = vector.shape_cast %add3A_945 : vector<16xf32> to vector<16xf32>
    tpu.vector_store %arg7[%swap3A_946], %swap3A_949 {strides = array<i32>} : memref<128xf32, #tpu.memory_space<vmem>>, vector<16xf32>,
    %get3A_950 = arith.constant 80 : index
    %get3A_951 = tpu.vector_load %arg6[%get3A_950] {strides = array<i32>} : memref<3328xf32, #tpu.memory_space<vmem>>, vector<16xf32>,
    %get3A_952 = vector.shape_cast %get3A_951 : vector<16xf32> to vector<16xf32>
    %get3A_953 = arith.constant 208 : index
    %get3A_954 = tpu.vector_load %arg6[%get3A_953] {strides = array<i32>} : memref<3328xf32, #tpu.memory_space<vmem>>, vector<16xf32>,
    %get3A_955 = vector.shape_cast %get3A_954 : vector<16xf32> to vector<16xf32>
    %add3A_956 = arith.addf %get3A_952, %get3A_955 : vector<16xf32>
    %get3A_957 = arith.constant 336 : index
    %get3A_958 = tpu.vector_load %arg6[%get3A_957] {strides = array<i32>} : memref<3328xf32, #tpu.memory_space<vmem>>, vector<16xf32>,
    %get3A_959 = vector.shape_cast %get3A_958 : vector<16xf32> to vector<16xf32>
    %add3A_960 = arith.addf %add3A_956, %get3A_959 : vector<16xf32>
    %get3A_961 = arith.constant 464 : index
    %get3A_962 = tpu.vector_load %arg6[%get3A_961] {strides = array<i32>} : memref<3328xf32, #tpu.memory_space<vmem>>, vector<16xf32>,
    %get3A_963 = vector.shape_cast %get3A_962 : vector<16xf32> to vector<16xf32>
    %add3A_964 = arith.addf %add3A_960, %get3A_963 : vector<16xf32>
    %get3A_965 = arith.constant 592 : index
    %get3A_966 = tpu.vector_load %arg6[%get3A_965] {strides = array<i32>} : memref<3328xf32, #tpu.memory_space<vmem>>, vector<16xf32>,
    %get3A_967 = vector.shape_cast %get3A_966 : vector<16xf32> to vector<16xf32>
    %add3A_968 = arith.addf %add3A_964, %get3A_967 : vector<16xf32>
    %get3A_969 = arith.constant 720 : index
    %get3A_970 = tpu.vector_load %arg6[%get3A_969] {strides = array<i32>} : memref<3328xf32, #tpu.memory_space<vmem>>, vector<16xf32>,
    %get3A_971 = vector.shape_cast %get3A_970 : vector<16xf32> to vector<16xf32>
    %add3A_972 = arith.addf %add3A_968, %get3A_971 : vector<16xf32>
    %get3A_973 = arith.constant 848 : index
    %get3A_974 = tpu.vector_load %arg6[%get3A_973] {strides = array<i32>} : memref<3328xf32, #tpu.memory_space<vmem>>, vector<16xf32>,
    %get3A_975 = vector.shape_cast %get3A_974 : vector<16xf32> to vector<16xf32>
    %add3A_976 = arith.addf %add3A_972, %get3A_975 : vector<16xf32>
    %get3A_977 = arith.constant 976 : index
    %get3A_978 = tpu.vector_load %arg6[%get3A_977] {strides = array<i32>} : memref<3328xf32, #tpu.memory_space<vmem>>, vector<16xf32>,
    %get3A_979 = vector.shape_cast %get3A_978 : vector<16xf32> to vector<16xf32>
    %add3A_980 = arith.addf %add3A_976, %get3A_979 : vector<16xf32>
    %get3A_981 = arith.constant 1104 : index
    %get3A_982 = tpu.vector_load %arg6[%get3A_981] {strides = array<i32>} : memref<3328xf32, #tpu.memory_space<vmem>>, vector<16xf32>,
    %get3A_983 = vector.shape_cast %get3A_982 : vector<16xf32> to vector<16xf32>
    %add3A_984 = arith.addf %add3A_980, %get3A_983 : vector<16xf32>
    %get3A_985 = arith.constant 1232 : index
    %get3A_986 = tpu.vector_load %arg6[%get3A_985] {strides = array<i32>} : memref<3328xf32, #tpu.memory_space<vmem>>, vector<16xf32>,
    %get3A_987 = vector.shape_cast %get3A_986 : vector<16xf32> to vector<16xf32>
    %add3A_988 = arith.addf %add3A_984, %get3A_987 : vector<16xf32>
    %get3A_989 = arith.constant 1360 : index
    %get3A_990 = tpu.vector_load %arg6[%get3A_989] {strides = array<i32>} : memref<3328xf32, #tpu.memory_space<vmem>>, vector<16xf32>,
    %get3A_991 = vector.shape_cast %get3A_990 : vector<16xf32> to vector<16xf32>
    %add3A_992 = arith.addf %add3A_988, %get3A_991 : vector<16xf32>
    %get3A_993 = arith.constant 1488 : index
    %get3A_994 = tpu.vector_load %arg6[%get3A_993] {strides = array<i32>} : memref<3328xf32, #tpu.memory_space<vmem>>, vector<16xf32>,
    %get3A_995 = vector.shape_cast %get3A_994 : vector<16xf32> to vector<16xf32>
    %add3A_996 = arith.addf %add3A_992, %get3A_995 : vector<16xf32>
    %get3A_997 = arith.constant 1616 : index
    %get3A_998 = tpu.vector_load %arg6[%get3A_997] {strides = array<i32>} : memref<3328xf32, #tpu.memory_space<vmem>>, vector<16xf32>,
    %get3A_999 = vector.shape_cast %get3A_998 : vector<16xf32> to vector<16xf32>
    %add3A_1000 = arith.addf %add3A_996, %get3A_999 : vector<16xf32>
    %get3A_1001 = arith.constant 1744 : index
    %get3A_1002 = tpu.vector_load %arg6[%get3A_1001] {strides = array<i32>} : memref<3328xf32, #tpu.memory_space<vmem>>, vector<16xf32>,
    %get3A_1003 = vector.shape_cast %get3A_1002 : vector<16xf32> to vector<16xf32>
    %add3A_1004 = arith.addf %add3A_1000, %get3A_1003 : vector<16xf32>
    %get3A_1005 = arith.constant 1872 : index
    %get3A_1006 = tpu.vector_load %arg6[%get3A_1005] {strides = array<i32>} : memref<3328xf32, #tpu.memory_space<vmem>>, vector<16xf32>,
    %get3A_1007 = vector.shape_cast %get3A_1006 : vector<16xf32> to vector<16xf32>
    %add3A_1008 = arith.addf %add3A_1004, %get3A_1007 : vector<16xf32>
    %get3A_1009 = arith.constant 2000 : index
    %get3A_1010 = tpu.vector_load %arg6[%get3A_1009] {strides = array<i32>} : memref<3328xf32, #tpu.memory_space<vmem>>, vector<16xf32>,
    %get3A_1011 = vector.shape_cast %get3A_1010 : vector<16xf32> to vector<16xf32>
    %add3A_1012 = arith.addf %add3A_1008, %get3A_1011 : vector<16xf32>
    %get3A_1013 = arith.constant 2128 : index
    %get3A_1014 = tpu.vector_load %arg6[%get3A_1013] {strides = array<i32>} : memref<3328xf32, #tpu.memory_space<vmem>>, vector<16xf32>,
    %get3A_1015 = vector.shape_cast %get3A_1014 : vector<16xf32> to vector<16xf32>
    %add3A_1016 = arith.addf %add3A_1012, %get3A_1015 : vector<16xf32>
    %get3A_1017 = arith.constant 2256 : index
    %get3A_1018 = tpu.vector_load %arg6[%get3A_1017] {strides = array<i32>} : memref<3328xf32, #tpu.memory_space<vmem>>, vector<16xf32>,
    %get3A_1019 = vector.shape_cast %get3A_1018 : vector<16xf32> to vector<16xf32>
    %add3A_1020 = arith.addf %add3A_1016, %get3A_1019 : vector<16xf32>
    %get3A_1021 = arith.constant 2384 : index
    %get3A_1022 = tpu.vector_load %arg6[%get3A_1021] {strides = array<i32>} : memref<3328xf32, #tpu.memory_space<vmem>>, vector<16xf32>,
    %get3A_1023 = vector.shape_cast %get3A_1022 : vector<16xf32> to vector<16xf32>
    %add3A_1024 = arith.addf %add3A_1020, %get3A_1023 : vector<16xf32>
    %get3A_1025 = arith.constant 2512 : index
    %get3A_1026 = tpu.vector_load %arg6[%get3A_1025] {strides = array<i32>} : memref<3328xf32, #tpu.memory_space<vmem>>, vector<16xf32>,
    %get3A_1027 = vector.shape_cast %get3A_1026 : vector<16xf32> to vector<16xf32>
    %add3A_1028 = arith.addf %add3A_1024, %get3A_1027 : vector<16xf32>
    %get3A_1029 = arith.constant 2640 : index
    %get3A_1030 = tpu.vector_load %arg6[%get3A_1029] {strides = array<i32>} : memref<3328xf32, #tpu.memory_space<vmem>>, vector<16xf32>,
    %get3A_1031 = vector.shape_cast %get3A_1030 : vector<16xf32> to vector<16xf32>
    %add3A_1032 = arith.addf %add3A_1028, %get3A_1031 : vector<16xf32>
    %get3A_1033 = arith.constant 2768 : index
    %get3A_1034 = tpu.vector_load %arg6[%get3A_1033] {strides = array<i32>} : memref<3328xf32, #tpu.memory_space<vmem>>, vector<16xf32>,
    %get3A_1035 = vector.shape_cast %get3A_1034 : vector<16xf32> to vector<16xf32>
    %add3A_1036 = arith.addf %add3A_1032, %get3A_1035 : vector<16xf32>
    %get3A_1037 = arith.constant 2896 : index
    %get3A_1038 = tpu.vector_load %arg6[%get3A_1037] {strides = array<i32>} : memref<3328xf32, #tpu.memory_space<vmem>>, vector<16xf32>,
    %get3A_1039 = vector.shape_cast %get3A_1038 : vector<16xf32> to vector<16xf32>
    %add3A_1040 = arith.addf %add3A_1036, %get3A_1039 : vector<16xf32>
    %get3A_1041 = arith.constant 3024 : index
    %get3A_1042 = tpu.vector_load %arg6[%get3A_1041] {strides = array<i32>} : memref<3328xf32, #tpu.memory_space<vmem>>, vector<16xf32>,
    %get3A_1043 = vector.shape_cast %get3A_1042 : vector<16xf32> to vector<16xf32>
    %add3A_1044 = arith.addf %add3A_1040, %get3A_1043 : vector<16xf32>
    %get3A_1045 = arith.constant 3152 : index
    %get3A_1046 = tpu.vector_load %arg6[%get3A_1045] {strides = array<i32>} : memref<3328xf32, #tpu.memory_space<vmem>>, vector<16xf32>,
    %get3A_1047 = vector.shape_cast %get3A_1046 : vector<16xf32> to vector<16xf32>
    %add3A_1048 = arith.addf %add3A_1044, %get3A_1047 : vector<16xf32>
    %get3A_1049 = arith.constant 3280 : index
    %get3A_1050 = tpu.vector_load %arg6[%get3A_1049] {strides = array<i32>} : memref<3328xf32, #tpu.memory_space<vmem>>, vector<16xf32>,
    %get3A_1051 = vector.shape_cast %get3A_1050 : vector<16xf32> to vector<16xf32>
    %add3A_1052 = arith.addf %add3A_1048, %get3A_1051 : vector<16xf32>
    %swap3A_1053 = arith.constant 80 : index
    %swap3A_1054 = tpu.vector_load %arg7[%swap3A_1053] {strides = array<i32>} : memref<128xf32, #tpu.memory_space<vmem>>, vector<16xf32>,
    %swap3A_1055 = vector.shape_cast %swap3A_1054 : vector<16xf32> to vector<16xf32>
    %swap3A_1056 = vector.shape_cast %add3A_1052 : vector<16xf32> to vector<16xf32>
    tpu.vector_store %arg7[%swap3A_1053], %swap3A_1056 {strides = array<i32>} : memref<128xf32, #tpu.memory_space<vmem>>, vector<16xf32>,
    %get3A_1057 = arith.constant 96 : index
    %get3A_1058 = tpu.vector_load %arg6[%get3A_1057] {strides = array<i32>} : memref<3328xf32, #tpu.memory_space<vmem>>, vector<16xf32>,
    %get3A_1059 = vector.shape_cast %get3A_1058 : vector<16xf32> to vector<16xf32>
    %get3A_1060 = arith.constant 224 : index
    %get3A_1061 = tpu.vector_load %arg6[%get3A_1060] {strides = array<i32>} : memref<3328xf32, #tpu.memory_space<vmem>>, vector<16xf32>,
    %get3A_1062 = vector.shape_cast %get3A_1061 : vector<16xf32> to vector<16xf32>
    %add3A_1063 = arith.addf %get3A_1059, %get3A_1062 : vector<16xf32>
    %get3A_1064 = arith.constant 352 : index
    %get3A_1065 = tpu.vector_load %arg6[%get3A_1064] {strides = array<i32>} : memref<3328xf32, #tpu.memory_space<vmem>>, vector<16xf32>,
    %get3A_1066 = vector.shape_cast %get3A_1065 : vector<16xf32> to vector<16xf32>
    %add3A_1067 = arith.addf %add3A_1063, %get3A_1066 : vector<16xf32>
    %get3A_1068 = arith.constant 480 : index
    %get3A_1069 = tpu.vector_load %arg6[%get3A_1068] {strides = array<i32>} : memref<3328xf32, #tpu.memory_space<vmem>>, vector<16xf32>,
    %get3A_1070 = vector.shape_cast %get3A_1069 : vector<16xf32> to vector<16xf32>
    %add3A_1071 = arith.addf %add3A_1067, %get3A_1070 : vector<16xf32>
    %get3A_1072 = arith.constant 608 : index
    %get3A_1073 = tpu.vector_load %arg6[%get3A_1072] {strides = array<i32>} : memref<3328xf32, #tpu.memory_space<vmem>>, vector<16xf32>,
    %get3A_1074 = vector.shape_cast %get3A_1073 : vector<16xf32> to vector<16xf32>
    %add3A_1075 = arith.addf %add3A_1071, %get3A_1074 : vector<16xf32>
    %get3A_1076 = arith.constant 736 : index
    %get3A_1077 = tpu.vector_load %arg6[%get3A_1076] {strides = array<i32>} : memref<3328xf32, #tpu.memory_space<vmem>>, vector<16xf32>,
    %get3A_1078 = vector.shape_cast %get3A_1077 : vector<16xf32> to vector<16xf32>
    %add3A_1079 = arith.addf %add3A_1075, %get3A_1078 : vector<16xf32>
    %get3A_1080 = arith.constant 864 : index
    %get3A_1081 = tpu.vector_load %arg6[%get3A_1080] {strides = array<i32>} : memref<3328xf32, #tpu.memory_space<vmem>>, vector<16xf32>,
    %get3A_1082 = vector.shape_cast %get3A_1081 : vector<16xf32> to vector<16xf32>
    %add3A_1083 = arith.addf %add3A_1079, %get3A_1082 : vector<16xf32>
    %get3A_1084 = arith.constant 992 : index
    %get3A_1085 = tpu.vector_load %arg6[%get3A_1084] {strides = array<i32>} : memref<3328xf32, #tpu.memory_space<vmem>>, vector<16xf32>,
    %get3A_1086 = vector.shape_cast %get3A_1085 : vector<16xf32> to vector<16xf32>
    %add3A_1087 = arith.addf %add3A_1083, %get3A_1086 : vector<16xf32>
    %get3A_1088 = arith.constant 1120 : index
    %get3A_1089 = tpu.vector_load %arg6[%get3A_1088] {strides = array<i32>} : memref<3328xf32, #tpu.memory_space<vmem>>, vector<16xf32>,
    %get3A_1090 = vector.shape_cast %get3A_1089 : vector<16xf32> to vector<16xf32>
    %add3A_1091 = arith.addf %add3A_1087, %get3A_1090 : vector<16xf32>
    %get3A_1092 = arith.constant 1248 : index
    %get3A_1093 = tpu.vector_load %arg6[%get3A_1092] {strides = array<i32>} : memref<3328xf32, #tpu.memory_space<vmem>>, vector<16xf32>,
    %get3A_1094 = vector.shape_cast %get3A_1093 : vector<16xf32> to vector<16xf32>
    %add3A_1095 = arith.addf %add3A_1091, %get3A_1094 : vector<16xf32>
    %get3A_1096 = arith.constant 1376 : index
    %get3A_1097 = tpu.vector_load %arg6[%get3A_1096] {strides = array<i32>} : memref<3328xf32, #tpu.memory_space<vmem>>, vector<16xf32>,
    %get3A_1098 = vector.shape_cast %get3A_1097 : vector<16xf32> to vector<16xf32>
    %add3A_1099 = arith.addf %add3A_1095, %get3A_1098 : vector<16xf32>
    %get3A_1100 = arith.constant 1504 : index
    %get3A_1101 = tpu.vector_load %arg6[%get3A_1100] {strides = array<i32>} : memref<3328xf32, #tpu.memory_space<vmem>>, vector<16xf32>,
    %get3A_1102 = vector.shape_cast %get3A_1101 : vector<16xf32> to vector<16xf32>
    %add3A_1103 = arith.addf %add3A_1099, %get3A_1102 : vector<16xf32>
    %get3A_1104 = arith.constant 1632 : index
    %get3A_1105 = tpu.vector_load %arg6[%get3A_1104] {strides = array<i32>} : memref<3328xf32, #tpu.memory_space<vmem>>, vector<16xf32>,
    %get3A_1106 = vector.shape_cast %get3A_1105 : vector<16xf32> to vector<16xf32>
    %add3A_1107 = arith.addf %add3A_1103, %get3A_1106 : vector<16xf32>
    %get3A_1108 = arith.constant 1760 : index
    %get3A_1109 = tpu.vector_load %arg6[%get3A_1108] {strides = array<i32>} : memref<3328xf32, #tpu.memory_space<vmem>>, vector<16xf32>,
    %get3A_1110 = vector.shape_cast %get3A_1109 : vector<16xf32> to vector<16xf32>
    %add3A_1111 = arith.addf %add3A_1107, %get3A_1110 : vector<16xf32>
    %get3A_1112 = arith.constant 1888 : index
    %get3A_1113 = tpu.vector_load %arg6[%get3A_1112] {strides = array<i32>} : memref<3328xf32, #tpu.memory_space<vmem>>, vector<16xf32>,
    %get3A_1114 = vector.shape_cast %get3A_1113 : vector<16xf32> to vector<16xf32>
    %add3A_1115 = arith.addf %add3A_1111, %get3A_1114 : vector<16xf32>
    %get3A_1116 = arith.constant 2016 : index
    %get3A_1117 = tpu.vector_load %arg6[%get3A_1116] {strides = array<i32>} : memref<3328xf32, #tpu.memory_space<vmem>>, vector<16xf32>,
    %get3A_1118 = vector.shape_cast %get3A_1117 : vector<16xf32> to vector<16xf32>
    %add3A_1119 = arith.addf %add3A_1115, %get3A_1118 : vector<16xf32>
    %get3A_1120 = arith.constant 2144 : index
    %get3A_1121 = tpu.vector_load %arg6[%get3A_1120] {strides = array<i32>} : memref<3328xf32, #tpu.memory_space<vmem>>, vector<16xf32>,
    %get3A_1122 = vector.shape_cast %get3A_1121 : vector<16xf32> to vector<16xf32>
    %add3A_1123 = arith.addf %add3A_1119, %get3A_1122 : vector<16xf32>
    %get3A_1124 = arith.constant 2272 : index
    %get3A_1125 = tpu.vector_load %arg6[%get3A_1124] {strides = array<i32>} : memref<3328xf32, #tpu.memory_space<vmem>>, vector<16xf32>,
    %get3A_1126 = vector.shape_cast %get3A_1125 : vector<16xf32> to vector<16xf32>
    %add3A_1127 = arith.addf %add3A_1123, %get3A_1126 : vector<16xf32>
    %get3A_1128 = arith.constant 2400 : index
    %get3A_1129 = tpu.vector_load %arg6[%get3A_1128] {strides = array<i32>} : memref<3328xf32, #tpu.memory_space<vmem>>, vector<16xf32>,
    %get3A_1130 = vector.shape_cast %get3A_1129 : vector<16xf32> to vector<16xf32>
    %add3A_1131 = arith.addf %add3A_1127, %get3A_1130 : vector<16xf32>
    %get3A_1132 = arith.constant 2528 : index
    %get3A_1133 = tpu.vector_load %arg6[%get3A_1132] {strides = array<i32>} : memref<3328xf32, #tpu.memory_space<vmem>>, vector<16xf32>,
    %get3A_1134 = vector.shape_cast %get3A_1133 : vector<16xf32> to vector<16xf32>
    %add3A_1135 = arith.addf %add3A_1131, %get3A_1134 : vector<16xf32>
    %get3A_1136 = arith.constant 2656 : index
    %get3A_1137 = tpu.vector_load %arg6[%get3A_1136] {strides = array<i32>} : memref<3328xf32, #tpu.memory_space<vmem>>, vector<16xf32>,
    %get3A_1138 = vector.shape_cast %get3A_1137 : vector<16xf32> to vector<16xf32>
    %add3A_1139 = arith.addf %add3A_1135, %get3A_1138 : vector<16xf32>
    %get3A_1140 = arith.constant 2784 : index
    %get3A_1141 = tpu.vector_load %arg6[%get3A_1140] {strides = array<i32>} : memref<3328xf32, #tpu.memory_space<vmem>>, vector<16xf32>,
    %get3A_1142 = vector.shape_cast %get3A_1141 : vector<16xf32> to vector<16xf32>
    %add3A_1143 = arith.addf %add3A_1139, %get3A_1142 : vector<16xf32>
    %get3A_1144 = arith.constant 2912 : index
    %get3A_1145 = tpu.vector_load %arg6[%get3A_1144] {strides = array<i32>} : memref<3328xf32, #tpu.memory_space<vmem>>, vector<16xf32>,
    %get3A_1146 = vector.shape_cast %get3A_1145 : vector<16xf32> to vector<16xf32>
    %add3A_1147 = arith.addf %add3A_1143, %get3A_1146 : vector<16xf32>
    %get3A_1148 = arith.constant 3040 : index
    %get3A_1149 = tpu.vector_load %arg6[%get3A_1148] {strides = array<i32>} : memref<3328xf32, #tpu.memory_space<vmem>>, vector<16xf32>,
    %get3A_1150 = vector.shape_cast %get3A_1149 : vector<16xf32> to vector<16xf32>
    %add3A_1151 = arith.addf %add3A_1147, %get3A_1150 : vector<16xf32>
    %get3A_1152 = arith.constant 3168 : index
    %get3A_1153 = tpu.vector_load %arg6[%get3A_1152] {strides = array<i32>} : memref<3328xf32, #tpu.memory_space<vmem>>, vector<16xf32>,
    %get3A_1154 = vector.shape_cast %get3A_1153 : vector<16xf32> to vector<16xf32>
    %add3A_1155 = arith.addf %add3A_1151, %get3A_1154 : vector<16xf32>
    %get3A_1156 = arith.constant 3296 : index
    %get3A_1157 = tpu.vector_load %arg6[%get3A_1156] {strides = array<i32>} : memref<3328xf32, #tpu.memory_space<vmem>>, vector<16xf32>,
    %get3A_1158 = vector.shape_cast %get3A_1157 : vector<16xf32> to vector<16xf32>
    %add3A_1159 = arith.addf %add3A_1155, %get3A_1158 : vector<16xf32>
    %swap3A_1160 = arith.constant 96 : index
    %swap3A_1161 = tpu.vector_load %arg7[%swap3A_1160] {strides = array<i32>} : memref<128xf32, #tpu.memory_space<vmem>>, vector<16xf32>,
    %swap3A_1162 = vector.shape_cast %swap3A_1161 : vector<16xf32> to vector<16xf32>
    %swap3A_1163 = vector.shape_cast %add3A_1159 : vector<16xf32> to vector<16xf32>
    tpu.vector_store %arg7[%swap3A_1160], %swap3A_1163 {strides = array<i32>} : memref<128xf32, #tpu.memory_space<vmem>>, vector<16xf32>,
    %get3A_1164 = arith.constant 112 : index
    %get3A_1165 = tpu.vector_load %arg6[%get3A_1164] {strides = array<i32>} : memref<3328xf32, #tpu.memory_space<vmem>>, vector<16xf32>,
    %get3A_1166 = vector.shape_cast %get3A_1165 : vector<16xf32> to vector<16xf32>
    %get3A_1167 = arith.constant 240 : index
    %get3A_1168 = tpu.vector_load %arg6[%get3A_1167] {strides = array<i32>} : memref<3328xf32, #tpu.memory_space<vmem>>, vector<16xf32>,
    %get3A_1169 = vector.shape_cast %get3A_1168 : vector<16xf32> to vector<16xf32>
    %add3A_1170 = arith.addf %get3A_1166, %get3A_1169 : vector<16xf32>
    %get3A_1171 = arith.constant 368 : index
    %get3A_1172 = tpu.vector_load %arg6[%get3A_1171] {strides = array<i32>} : memref<3328xf32, #tpu.memory_space<vmem>>, vector<16xf32>,
    %get3A_1173 = vector.shape_cast %get3A_1172 : vector<16xf32> to vector<16xf32>
    %add3A_1174 = arith.addf %add3A_1170, %get3A_1173 : vector<16xf32>
    %get3A_1175 = arith.constant 496 : index
    %get3A_1176 = tpu.vector_load %arg6[%get3A_1175] {strides = array<i32>} : memref<3328xf32, #tpu.memory_space<vmem>>, vector<16xf32>,
    %get3A_1177 = vector.shape_cast %get3A_1176 : vector<16xf32> to vector<16xf32>
    %add3A_1178 = arith.addf %add3A_1174, %get3A_1177 : vector<16xf32>
    %get3A_1179 = arith.constant 624 : index
    %get3A_1180 = tpu.vector_load %arg6[%get3A_1179] {strides = array<i32>} : memref<3328xf32, #tpu.memory_space<vmem>>, vector<16xf32>,
    %get3A_1181 = vector.shape_cast %get3A_1180 : vector<16xf32> to vector<16xf32>
    %add3A_1182 = arith.addf %add3A_1178, %get3A_1181 : vector<16xf32>
    %get3A_1183 = arith.constant 752 : index
    %get3A_1184 = tpu.vector_load %arg6[%get3A_1183] {strides = array<i32>} : memref<3328xf32, #tpu.memory_space<vmem>>, vector<16xf32>,
    %get3A_1185 = vector.shape_cast %get3A_1184 : vector<16xf32> to vector<16xf32>
    %add3A_1186 = arith.addf %add3A_1182, %get3A_1185 : vector<16xf32>
    %get3A_1187 = arith.constant 880 : index
    %get3A_1188 = tpu.vector_load %arg6[%get3A_1187] {strides = array<i32>} : memref<3328xf32, #tpu.memory_space<vmem>>, vector<16xf32>,
    %get3A_1189 = vector.shape_cast %get3A_1188 : vector<16xf32> to vector<16xf32>
    %add3A_1190 = arith.addf %add3A_1186, %get3A_1189 : vector<16xf32>
    %get3A_1191 = arith.constant 1008 : index
    %get3A_1192 = tpu.vector_load %arg6[%get3A_1191] {strides = array<i32>} : memref<3328xf32, #tpu.memory_space<vmem>>, vector<16xf32>,
    %get3A_1193 = vector.shape_cast %get3A_1192 : vector<16xf32> to vector<16xf32>
    %add3A_1194 = arith.addf %add3A_1190, %get3A_1193 : vector<16xf32>
    %get3A_1195 = arith.constant 1136 : index
    %get3A_1196 = tpu.vector_load %arg6[%get3A_1195] {strides = array<i32>} : memref<3328xf32, #tpu.memory_space<vmem>>, vector<16xf32>,
    %get3A_1197 = vector.shape_cast %get3A_1196 : vector<16xf32> to vector<16xf32>
    %add3A_1198 = arith.addf %add3A_1194, %get3A_1197 : vector<16xf32>
    %get3A_1199 = arith.constant 1264 : index
    %get3A_1200 = tpu.vector_load %arg6[%get3A_1199] {strides = array<i32>} : memref<3328xf32, #tpu.memory_space<vmem>>, vector<16xf32>,
    %get3A_1201 = vector.shape_cast %get3A_1200 : vector<16xf32> to vector<16xf32>
    %add3A_1202 = arith.addf %add3A_1198, %get3A_1201 : vector<16xf32>
    %get3A_1203 = arith.constant 1392 : index
    %get3A_1204 = tpu.vector_load %arg6[%get3A_1203] {strides = array<i32>} : memref<3328xf32, #tpu.memory_space<vmem>>, vector<16xf32>,
    %get3A_1205 = vector.shape_cast %get3A_1204 : vector<16xf32> to vector<16xf32>
    %add3A_1206 = arith.addf %add3A_1202, %get3A_1205 : vector<16xf32>
    %get3A_1207 = arith.constant 1520 : index
    %get3A_1208 = tpu.vector_load %arg6[%get3A_1207] {strides = array<i32>} : memref<3328xf32, #tpu.memory_space<vmem>>, vector<16xf32>,
    %get3A_1209 = vector.shape_cast %get3A_1208 : vector<16xf32> to vector<16xf32>
    %add3A_1210 = arith.addf %add3A_1206, %get3A_1209 : vector<16xf32>
    %get3A_1211 = arith.constant 1648 : index
    %get3A_1212 = tpu.vector_load %arg6[%get3A_1211] {strides = array<i32>} : memref<3328xf32, #tpu.memory_space<vmem>>, vector<16xf32>,
    %get3A_1213 = vector.shape_cast %get3A_1212 : vector<16xf32> to vector<16xf32>
    %add3A_1214 = arith.addf %add3A_1210, %get3A_1213 : vector<16xf32>
    %get3A_1215 = arith.constant 1776 : index
    %get3A_1216 = tpu.vector_load %arg6[%get3A_1215] {strides = array<i32>} : memref<3328xf32, #tpu.memory_space<vmem>>, vector<16xf32>,
    %get3A_1217 = vector.shape_cast %get3A_1216 : vector<16xf32> to vector<16xf32>
    %add3A_1218 = arith.addf %add3A_1214, %get3A_1217 : vector<16xf32>
    %get3A_1219 = arith.constant 1904 : index
    %get3A_1220 = tpu.vector_load %arg6[%get3A_1219] {strides = array<i32>} : memref<3328xf32, #tpu.memory_space<vmem>>, vector<16xf32>,
    %get3A_1221 = vector.shape_cast %get3A_1220 : vector<16xf32> to vector<16xf32>
    %add3A_1222 = arith.addf %add3A_1218, %get3A_1221 : vector<16xf32>
    %get3A_1223 = arith.constant 2032 : index
    %get3A_1224 = tpu.vector_load %arg6[%get3A_1223] {strides = array<i32>} : memref<3328xf32, #tpu.memory_space<vmem>>, vector<16xf32>,
    %get3A_1225 = vector.shape_cast %get3A_1224 : vector<16xf32> to vector<16xf32>
    %add3A_1226 = arith.addf %add3A_1222, %get3A_1225 : vector<16xf32>
    %get3A_1227 = arith.constant 2160 : index
    %get3A_1228 = tpu.vector_load %arg6[%get3A_1227] {strides = array<i32>} : memref<3328xf32, #tpu.memory_space<vmem>>, vector<16xf32>,
    %get3A_1229 = vector.shape_cast %get3A_1228 : vector<16xf32> to vector<16xf32>
    %add3A_1230 = arith.addf %add3A_1226, %get3A_1229 : vector<16xf32>
    %get3A_1231 = arith.constant 2288 : index
    %get3A_1232 = tpu.vector_load %arg6[%get3A_1231] {strides = array<i32>} : memref<3328xf32, #tpu.memory_space<vmem>>, vector<16xf32>,
    %get3A_1233 = vector.shape_cast %get3A_1232 : vector<16xf32> to vector<16xf32>
    %add3A_1234 = arith.addf %add3A_1230, %get3A_1233 : vector<16xf32>
    %get3A_1235 = arith.constant 2416 : index
    %get3A_1236 = tpu.vector_load %arg6[%get3A_1235] {strides = array<i32>} : memref<3328xf32, #tpu.memory_space<vmem>>, vector<16xf32>,
    %get3A_1237 = vector.shape_cast %get3A_1236 : vector<16xf32> to vector<16xf32>
    %add3A_1238 = arith.addf %add3A_1234, %get3A_1237 : vector<16xf32>
    %get3A_1239 = arith.constant 2544 : index
    %get3A_1240 = tpu.vector_load %arg6[%get3A_1239] {strides = array<i32>} : memref<3328xf32, #tpu.memory_space<vmem>>, vector<16xf32>,
    %get3A_1241 = vector.shape_cast %get3A_1240 : vector<16xf32> to vector<16xf32>
    %add3A_1242 = arith.addf %add3A_1238, %get3A_1241 : vector<16xf32>
    %get3A_1243 = arith.constant 2672 : index
    %get3A_1244 = tpu.vector_load %arg6[%get3A_1243] {strides = array<i32>} : memref<3328xf32, #tpu.memory_space<vmem>>, vector<16xf32>,
    %get3A_1245 = vector.shape_cast %get3A_1244 : vector<16xf32> to vector<16xf32>
    %add3A_1246 = arith.addf %add3A_1242, %get3A_1245 : vector<16xf32>
    %get3A_1247 = arith.constant 2800 : index
    %get3A_1248 = tpu.vector_load %arg6[%get3A_1247] {strides = array<i32>} : memref<3328xf32, #tpu.memory_space<vmem>>, vector<16xf32>,
    %get3A_1249 = vector.shape_cast %get3A_1248 : vector<16xf32> to vector<16xf32>
    %add3A_1250 = arith.addf %add3A_1246, %get3A_1249 : vector<16xf32>
    %get3A_1251 = arith.constant 2928 : index
    %get3A_1252 = tpu.vector_load %arg6[%get3A_1251] {strides = array<i32>} : memref<3328xf32, #tpu.memory_space<vmem>>, vector<16xf32>,
    %get3A_1253 = vector.shape_cast %get3A_1252 : vector<16xf32> to vector<16xf32>
    %add3A_1254 = arith.addf %add3A_1250, %get3A_1253 : vector<16xf32>
    %get3A_1255 = arith.constant 3056 : index
    %get3A_1256 = tpu.vector_load %arg6[%get3A_1255] {strides = array<i32>} : memref<3328xf32, #tpu.memory_space<vmem>>, vector<16xf32>,
    %get3A_1257 = vector.shape_cast %get3A_1256 : vector<16xf32> to vector<16xf32>
    %add3A_1258 = arith.addf %add3A_1254, %get3A_1257 : vector<16xf32>
    %get3A_1259 = arith.constant 3184 : index
    %get3A_1260 = tpu.vector_load %arg6[%get3A_1259] {strides = array<i32>} : memref<3328xf32, #tpu.memory_space<vmem>>, vector<16xf32>,
    %get3A_1261 = vector.shape_cast %get3A_1260 : vector<16xf32> to vector<16xf32>
    %add3A_1262 = arith.addf %add3A_1258, %get3A_1261 : vector<16xf32>
    %get3A_1263 = arith.constant 3312 : index
    %get3A_1264 = tpu.vector_load %arg6[%get3A_1263] {strides = array<i32>} : memref<3328xf32, #tpu.memory_space<vmem>>, vector<16xf32>,
    %get3A_1265 = vector.shape_cast %get3A_1264 : vector<16xf32> to vector<16xf32>
    %add3A_1266 = arith.addf %add3A_1262, %get3A_1265 : vector<16xf32>
    %swap3A_1267 = arith.constant 112 : index
    %swap3A_1268 = tpu.vector_load %arg7[%swap3A_1267] {strides = array<i32>} : memref<128xf32, #tpu.memory_space<vmem>>, vector<16xf32>,
    %swap3A_1269 = vector.shape_cast %swap3A_1268 : vector<16xf32> to vector<16xf32>
    %swap3A_1270 = vector.shape_cast %add3A_1266 : vector<16xf32> to vector<16xf32>
    tpu.vector_store %arg7[%swap3A_1267], %swap3A_1270 {strides = array<i32>} : memref<128xf32, #tpu.memory_space<vmem>>, vector<16xf32>,
    %mul3A_1271 = arith.constant 128 : i32
    %mul3A_1272 = arith.muli %add3A, %mul3A_1271 : i32
    "tpu.region"() ({
      %run_scoped3A = tpu.sem_alloc : memref<!tpu.dma_semaphore, #tpu.memory_space<semaphore_mem>>
      %dma_start3A_1273 = tpu.memref_slice %arg4[%mul3A_1272] : memref<4096xf32, #tpu.memory_space<hbm>> -> memref<128xf32, #tpu.memory_space<hbm>>
      %dma_start3A_1274 = tpu.memref_slice %arg4[%mul3A_1272] : memref<4096xf32, #tpu.memory_space<hbm>> -> memref<128xf32, #tpu.memory_space<hbm>>
      tpu.enqueue_dma source(%arg7 : memref<128xf32, #tpu.memory_space<vmem>>) target(%dma_start3A_1274 : memref<128xf32, #tpu.memory_space<hbm>>) target_semaphore(%run_scoped3A : memref<!tpu.dma_semaphore, #tpu.memory_space<semaphore_mem>>)
      %dma_wait3A_1275 = tpu.memref_slice %arg4[%mul3A_1272] : memref<4096xf32, #tpu.memory_space<hbm>> -> memref<128xf32, #tpu.memory_space<hbm>>
      %dma_wait3A_1276 = tpu.memref_slice %arg4[%mul3A_1272] : memref<4096xf32, #tpu.memory_space<hbm>> -> memref<128xf32, #tpu.memory_space<hbm>>
      tpu.wait_dma2 semaphore(%run_scoped3A : memref<!tpu.dma_semaphore, #tpu.memory_space<semaphore_mem>>) src(%arg7 : memref<128xf32, #tpu.memory_space<vmem>>) dst(%dma_wait3A_1276 : memref<128xf32, #tpu.memory_space<hbm>>)
      tpu.yield
    }) : () -> ()
    return
  }
}

module attributes {stable_mosaic.version = 14 : i64} {
  func.func @_fm_body(%arg0: i32, %arg1: memref<416x1024xf32, #tpu.memory_space<vmem>>, %arg2: memref<1x1024xf32, #tpu.memory_space<vmem>>) attributes {dimension_semantics = [#tpu.dimension_semantics<arbitrary>], iteration_bounds = array<i64: 4>, scalar_prefetch = 0 : i64, scratch_operands = 0 : i64, tpu.core_type = #tpu.core_type<tc>, window_params = [{transform_indices = @transform_0, window_bounds = array<i64: 416, 1024>}, {transform_indices = @transform_1, window_bounds = array<i64: 1, 1024>}]} {
    %get3A = arith.constant 0 : index
    %get3A_0 = arith.constant 0 : index
    %get3A_1 = vector.load %arg1[%get3A, %get3A_0] : memref<416x1024xf32, #tpu.memory_space<vmem>>, vector<416x1024xf32>
    %slice3A = vector.extract_strided_slice %get3A_1 {offsets = [0, 0], sizes = [16, 1024], strides = [1, 1]} : vector<416x1024xf32> to vector<16x1024xf32>
    %slice3A_2 = vector.extract_strided_slice %get3A_1 {offsets = [16, 0], sizes = [16, 1024], strides = [1, 1]} : vector<416x1024xf32> to vector<16x1024xf32>
    %add3A = arith.addf %slice3A, %slice3A_2 : vector<16x1024xf32>
    %slice3A_3 = vector.extract_strided_slice %get3A_1 {offsets = [32, 0], sizes = [16, 1024], strides = [1, 1]} : vector<416x1024xf32> to vector<16x1024xf32>
    %add3A_4 = arith.addf %add3A, %slice3A_3 : vector<16x1024xf32>
    %slice3A_5 = vector.extract_strided_slice %get3A_1 {offsets = [48, 0], sizes = [16, 1024], strides = [1, 1]} : vector<416x1024xf32> to vector<16x1024xf32>
    %add3A_6 = arith.addf %add3A_4, %slice3A_5 : vector<16x1024xf32>
    %slice3A_7 = vector.extract_strided_slice %get3A_1 {offsets = [64, 0], sizes = [16, 1024], strides = [1, 1]} : vector<416x1024xf32> to vector<16x1024xf32>
    %add3A_8 = arith.addf %add3A_6, %slice3A_7 : vector<16x1024xf32>
    %slice3A_9 = vector.extract_strided_slice %get3A_1 {offsets = [80, 0], sizes = [16, 1024], strides = [1, 1]} : vector<416x1024xf32> to vector<16x1024xf32>
    %add3A_10 = arith.addf %add3A_8, %slice3A_9 : vector<16x1024xf32>
    %slice3A_11 = vector.extract_strided_slice %get3A_1 {offsets = [96, 0], sizes = [16, 1024], strides = [1, 1]} : vector<416x1024xf32> to vector<16x1024xf32>
    %add3A_12 = arith.addf %add3A_10, %slice3A_11 : vector<16x1024xf32>
    %slice3A_13 = vector.extract_strided_slice %get3A_1 {offsets = [112, 0], sizes = [16, 1024], strides = [1, 1]} : vector<416x1024xf32> to vector<16x1024xf32>
    %add3A_14 = arith.addf %add3A_12, %slice3A_13 : vector<16x1024xf32>
    %slice3A_15 = vector.extract_strided_slice %get3A_1 {offsets = [128, 0], sizes = [16, 1024], strides = [1, 1]} : vector<416x1024xf32> to vector<16x1024xf32>
    %add3A_16 = arith.addf %add3A_14, %slice3A_15 : vector<16x1024xf32>
    %slice3A_17 = vector.extract_strided_slice %get3A_1 {offsets = [144, 0], sizes = [16, 1024], strides = [1, 1]} : vector<416x1024xf32> to vector<16x1024xf32>
    %add3A_18 = arith.addf %add3A_16, %slice3A_17 : vector<16x1024xf32>
    %slice3A_19 = vector.extract_strided_slice %get3A_1 {offsets = [160, 0], sizes = [16, 1024], strides = [1, 1]} : vector<416x1024xf32> to vector<16x1024xf32>
    %add3A_20 = arith.addf %add3A_18, %slice3A_19 : vector<16x1024xf32>
    %slice3A_21 = vector.extract_strided_slice %get3A_1 {offsets = [176, 0], sizes = [16, 1024], strides = [1, 1]} : vector<416x1024xf32> to vector<16x1024xf32>
    %add3A_22 = arith.addf %add3A_20, %slice3A_21 : vector<16x1024xf32>
    %slice3A_23 = vector.extract_strided_slice %get3A_1 {offsets = [192, 0], sizes = [16, 1024], strides = [1, 1]} : vector<416x1024xf32> to vector<16x1024xf32>
    %add3A_24 = arith.addf %add3A_22, %slice3A_23 : vector<16x1024xf32>
    %slice3A_25 = vector.extract_strided_slice %get3A_1 {offsets = [208, 0], sizes = [16, 1024], strides = [1, 1]} : vector<416x1024xf32> to vector<16x1024xf32>
    %add3A_26 = arith.addf %add3A_24, %slice3A_25 : vector<16x1024xf32>
    %slice3A_27 = vector.extract_strided_slice %get3A_1 {offsets = [224, 0], sizes = [16, 1024], strides = [1, 1]} : vector<416x1024xf32> to vector<16x1024xf32>
    %add3A_28 = arith.addf %add3A_26, %slice3A_27 : vector<16x1024xf32>
    %slice3A_29 = vector.extract_strided_slice %get3A_1 {offsets = [240, 0], sizes = [16, 1024], strides = [1, 1]} : vector<416x1024xf32> to vector<16x1024xf32>
    %add3A_30 = arith.addf %add3A_28, %slice3A_29 : vector<16x1024xf32>
    %slice3A_31 = vector.extract_strided_slice %get3A_1 {offsets = [256, 0], sizes = [16, 1024], strides = [1, 1]} : vector<416x1024xf32> to vector<16x1024xf32>
    %add3A_32 = arith.addf %add3A_30, %slice3A_31 : vector<16x1024xf32>
    %slice3A_33 = vector.extract_strided_slice %get3A_1 {offsets = [272, 0], sizes = [16, 1024], strides = [1, 1]} : vector<416x1024xf32> to vector<16x1024xf32>
    %add3A_34 = arith.addf %add3A_32, %slice3A_33 : vector<16x1024xf32>
    %slice3A_35 = vector.extract_strided_slice %get3A_1 {offsets = [288, 0], sizes = [16, 1024], strides = [1, 1]} : vector<416x1024xf32> to vector<16x1024xf32>
    %add3A_36 = arith.addf %add3A_34, %slice3A_35 : vector<16x1024xf32>
    %slice3A_37 = vector.extract_strided_slice %get3A_1 {offsets = [304, 0], sizes = [16, 1024], strides = [1, 1]} : vector<416x1024xf32> to vector<16x1024xf32>
    %add3A_38 = arith.addf %add3A_36, %slice3A_37 : vector<16x1024xf32>
    %slice3A_39 = vector.extract_strided_slice %get3A_1 {offsets = [320, 0], sizes = [16, 1024], strides = [1, 1]} : vector<416x1024xf32> to vector<16x1024xf32>
    %add3A_40 = arith.addf %add3A_38, %slice3A_39 : vector<16x1024xf32>
    %slice3A_41 = vector.extract_strided_slice %get3A_1 {offsets = [336, 0], sizes = [16, 1024], strides = [1, 1]} : vector<416x1024xf32> to vector<16x1024xf32>
    %add3A_42 = arith.addf %add3A_40, %slice3A_41 : vector<16x1024xf32>
    %slice3A_43 = vector.extract_strided_slice %get3A_1 {offsets = [352, 0], sizes = [16, 1024], strides = [1, 1]} : vector<416x1024xf32> to vector<16x1024xf32>
    %add3A_44 = arith.addf %add3A_42, %slice3A_43 : vector<16x1024xf32>
    %slice3A_45 = vector.extract_strided_slice %get3A_1 {offsets = [368, 0], sizes = [16, 1024], strides = [1, 1]} : vector<416x1024xf32> to vector<16x1024xf32>
    %add3A_46 = arith.addf %add3A_44, %slice3A_45 : vector<16x1024xf32>
    %slice3A_47 = vector.extract_strided_slice %get3A_1 {offsets = [384, 0], sizes = [16, 1024], strides = [1, 1]} : vector<416x1024xf32> to vector<16x1024xf32>
    %add3A_48 = arith.addf %add3A_46, %slice3A_47 : vector<16x1024xf32>
    %slice3A_49 = vector.extract_strided_slice %get3A_1 {offsets = [400, 0], sizes = [16, 1024], strides = [1, 1]} : vector<416x1024xf32> to vector<16x1024xf32>
    %add3A_50 = arith.addf %add3A_48, %slice3A_49 : vector<16x1024xf32>
    %mul3A = arith.mulf %add3A_50, %add3A_50 : vector<16x1024xf32>
    %reduce_sum3A = arith.constant dense<0.000000e+00> : vector<1024xf32>
    %reduce_sum3A_51 = vector.multi_reduction <add>, %mul3A, %reduce_sum3A [0] : vector<16x1024xf32> to vector<1024xf32>
    %broadcast_in_dim3A = vector.shape_cast %reduce_sum3A_51 : vector<1024xf32> to vector<1x1024xf32>
    %mul3A_52 = arith.mulf %get3A_1, %get3A_1 : vector<416x1024xf32>
    %reduce_sum3A_53 = arith.constant dense<0.000000e+00> : vector<1024xf32>
    %reduce_sum3A_54 = vector.multi_reduction <add>, %mul3A_52, %reduce_sum3A_53 [0] : vector<416x1024xf32> to vector<1024xf32>
    %broadcast_in_dim3A_55 = vector.shape_cast %reduce_sum3A_54 : vector<1024xf32> to vector<1x1024xf32>
    %sub3A = arith.subf %broadcast_in_dim3A, %broadcast_in_dim3A_55 : vector<1x1024xf32>
    %mul3A_56 = arith.constant 5.000000e-01 : f32
    %mul3A_57 = vector.broadcast %mul3A_56 : f32 to vector<1x1024xf32>
    %mul3A_58 = arith.mulf %mul3A_57, %sub3A : vector<1x1024xf32>
    %swap3A = arith.constant 0 : index
    %swap3A_59 = arith.constant 0 : index
    %swap3A_60 = vector.load %arg2[%swap3A, %swap3A_59] : memref<1x1024xf32, #tpu.memory_space<vmem>>, vector<1x1024xf32>
    tpu.vector_store %arg2[%swap3A, %swap3A_59], %mul3A_58 {strides = array<i32>} : memref<1x1024xf32, #tpu.memory_space<vmem>>, vector<1x1024xf32>,
    return
  }
  func.func @transform_0(%arg0: i32) -> (i32, i32) {
    %c0_i32 = arith.constant 0 : i32
    %c0_i32_0 = arith.constant 0 : i32
    return %c0_i32, %arg0 : i32, i32
  }
  func.func @transform_1(%arg0: i32) -> (i32, i32) {
    %c0_i32 = arith.constant 0 : i32
    %c0_i32_0 = arith.constant 0 : i32
    return %c0_i32, %arg0 : i32, i32
  }
}

</mosaic_0001>

<sc_bundles>
// kernel: kernel.4.cloned.1.call-start
scs
__scs_entry_jumppad:
0x0: {  	(pc) =	sbr.rel $0x88, $3  }
0x1: {  	(tag) =	ssettag $0x0;
	lr =	simm.s32 $0x1  }
0x2: {  	[smem:$0x3F9D] =	sst lr;
	_ =	strace $0xD0000000  }
0x3: {  	_ = 	snop  }
0x4: {  	_ = 	snop  }
0x5: {  	_ = 	snop  }
0x6: {  	_ = 	snop  }
0x7: {  	_ = 	snop  }
__scs_overlays_trampoline_lowered:
0x8: {  	[smem:$0x3FAC] =	sst s0  }
0x9: {  	[smem:$0x3FAD] =	sst s1  }
0xa: {  	[smem:$0x3FAE] =	sst s2  }
0xb: {  	[smem:$0x3FAF] =	sst s3  }
0xc: {  	[smem:$0x3FB0] =	sst s4  }
0xd: {  	[smem:$0x3FB1] =	sst s5  }
0xe: {  	[smem:$0x3FB2] =	sst s6  }
0xf: {  	[smem:$0x3FB3] =	sst s7  }
0x10: {  	[smem:$0x3FB4] =	sst s8  }
0x11: {  	[smem:$0x3FB5] =	sst s9;
	s0 =	simm.s32 @!p0 $0x0  }
0x12: {  	s1 =	sld [smem:$0x3F9B];
	s0 =	simm.s32 @p0 $0x1  }
0x13: {  	[smem:$0x3FB6] =	sst s0;
	s0 =	simm.s32 @!p1 $0x0  }
0x14: {  	s2 =	sld [smem:$0x3F9A];
	s0 =	simm.s32 @p1 $0x1  }
0x15: {  	[smem:$0x3FB7] =	sst s0;
	s0 =	simm.s32 @!p2 $0x0  }
0x16: {  	s3 =	sld [smem:$0x3FDB];
	s0 =	simm.s32 @p2 $0x1  }
0x17: {  	s4 =	simm.s32 $0x1BF5;
	[smem:$0x3FB9] =	sst s0  }
0x18: {  	s0 =	sld [smem:$0x3F9C];
	_ =	swait.ge [sflag:s4], $0x0  }
0x19: {  	s7 =	sld [smem:$0x3F9D]  }
0x1a: {  	s8 =	sadd.s32 $0xFFFFE003, lr  }
0x1b: {  	s9 =	sadd.s32 $0xFFFFFEF7, lr;
	s5 =	simm.s32 $0xFFFFFFFF;
	p2 =	slt.u32 s8, $0xFFFFF086  }
0x1c: {  	p1 =	slt.u32 s9, $0xF7A;
	s5 =	simm.s32 @!p2 $0x0  }
0x1d: {  	s5 =	simm.s32 @p1 $0x1;
	p0 =	seq.s32 s7, s2  }
0x1e: {  	s7 =	smul.u32 @!p0 $0xF7A, s2;
	p2 =	seq.s32 @!p0 s5, $0x0  }
0x1f: {  	s9 =	smul.u32 $0xF7A, s1;
	s8 =	simm.s32 @!p0 $0x1BF5;
	p2 =	por !p2, p0  }
0x20: {  	[sflag:s8] =	ssyncset.s32 @!p0 $0xFFFFF086;
	s6 =	sadd.s32 @!p0 s3, s7;
	s7 =	simm.s32 @!p0 $0x108  }
0x21: {  	s3 =	sadd.s32 s3, s9;
	s6 =	sadd.s32 @!p0 $0x88, s6;
	s7 =	simm.s32 @p2 $0x1082  }
0x22: {  	[simem:s7], [sflag:s8] =	dma.local @!p0 [hbm:s6], $0xF7A  }
0x23: {  	s9 =	sor.u32 $0xD0000000, s2;
	s6 =	simm.s32 $0x108;
	_ =	swait.ge @!p0 [sflag:s8], $0x0  }
0x24: {  	s3 =	sadd.s32 $0x88, s3;
	s6 =	simm.s32 @!p1 $0x1082;
	[sflag:s4] =	ssyncset.s32 $0xFFFFF086  }
0x25: {  	[simem:s6], [sflag:s4] =	dma.local [hbm:s3], $0xF7A  }
0x26: {  	[smem:$0x3F9D] =	sst s1;
	(tag) =	ssettag s2;
	_ =	strace s9  }
0x27: {  	s1 =	sld [smem:$0x3FAD]  }
0x28: {  	s2 =	sld [smem:$0x3FAE]  }
0x29: {  	s4 =	sld [smem:$0x3FB0]  }
0x2a: {  	p0 =	seq.s32 s5, $0x0;
	s5 =	sld [smem:$0x3FB1]  }
0x2b: {  	s6 =	sld [smem:$0x3FB2]  }
0x2c: {  	s7 =	sld [smem:$0x3FB3]  }
0x2d: {  	s3 =	simm.s32 $0x108;
	s8 =	sld [smem:$0x3FB4]  }
0x2e: {  	s3 =	simm.s32 @!p0 $0x1082;
	s9 =	sld [smem:$0x3FB5]  }
0x2f: {  	lr =	sadd.s32 s0, s3;
	s0 =	sld [smem:$0x3FAC]  }
0x30: {  	s3 =	sld [smem:$0x3FAF]  }
0x31: {  	[smem:$0x3FB8] =	sst s10  }
0x32: {  	s10 =	sld [smem:$0x3FB6];
	_ =	sdelay $0x3  }
0x33: {  	p0 =	seq.s32 s10, $0x1;
	s10 =	sld [smem:$0x3FB8];
	_ =	sdelay $0x3  }
0x34: {  	[smem:$0x3FB8] =	sst s10  }
0x35: {  	s10 =	sld [smem:$0x3FB7];
	_ =	sdelay $0x3  }
0x36: {  	p1 =	seq.s32 s10, $0x1;
	s10 =	sld [smem:$0x3FB8];
	_ =	sdelay $0x3  }
0x37: {  	[smem:$0x3FB8] =	sst s10  }
0x38: {  	s10 =	sld [smem:$0x3FB9]  }
0x39: {  	_ = 	snop;
	(pc) =	sbr.ind lr, $3  }
0x3a: {  	_ = 	snop  }
0x3b: {  	_ = 	snop  }
0x3c: {  	p2 =	seq.s32 s10, $0x1;
	s10 =	sld [smem:$0x3FB8]  }
0x3d: {  	_ =	shalt  }
0x3e: {  	_ =	shalt  }
0x3f: {  	_ =	shalt  }
0x40: {  	_ =	shalt  }
0x41: {  	_ =	shalt  }
0x42: {  	_ =	shalt  }
0x43: {  	_ =	shalt  }
0x44: {  	_ =	shalt  }
0x45: {  	_ =	shalt  }
0x46: {  	_ =	shalt  }
0x47: {  	_ =	shalt  }
0x48: {  	_ =	shalt  }
0x49: {  	_ =	shalt  }
0x4a: {  	_ =	shalt  }
0x4b: {  	_ =	shalt  }
0x4c: {  	_ =	shalt  }
0x4d: {  	_ =	shalt  }
0x4e: {  	_ =	shalt  }
0x4f: {  	_ =	shalt  }
0x50: {  	_ =	shalt  }
0x51: {  	_ =	shalt  }
0x52: {  	_ =	shalt  }
0x53: {  	_ =	shalt  }
0x54: {  	_ =	shalt  }
0x55: {  	_ =	shalt  }
0x56: {  	_ =	shalt  }
0x57: {  	_ =	shalt  }
0x58: {  	_ =	shalt  }
0x59: {  	_ =	shalt  }
0x5a: {  	_ =	shalt  }
0x5b: {  	_ =	shalt  }
0x5c: {  	_ =	shalt  }
0x5d: {  	_ =	shalt  }
0x5e: {  	_ =	shalt  }
0x5f: {  	_ =	shalt  }
0x60: {  	_ =	shalt  }
0x61: {  	_ =	shalt  }
0x62: {  	_ =	shalt  }
0x63: {  	_ =	shalt  }
0x64: {  	_ =	shalt  }
0x65: {  	_ =	shalt  }
0x66: {  	_ =	shalt  }
0x67: {  	_ =	shalt  }
0x68: {  	_ =	shalt  }
0x69: {  	_ =	shalt  }
0x6a: {  	_ =	shalt  }
0x6b: {  	_ =	shalt  }
0x6c: {  	_ =	shalt  }
0x6d: {  	_ =	shalt  }
0x6e: {  	_ =	shalt  }
0x6f: {  	_ =	shalt  }
0x70: {  	_ =	shalt  }
0x71: {  	_ =	shalt  }
0x72: {  	_ =	shalt  }
0x73: {  	_ =	shalt  }
0x74: {  	_ =	shalt  }
0x75: {  	_ =	shalt  }
0x76: {  	_ =	shalt  }
0x77: {  	_ =	shalt  }
0x78: {  	_ =	shalt  }
0x79: {  	_ =	shalt  }
0x7a: {  	_ =	shalt  }
0x7b: {  	_ =	shalt  }
0x7c: {  	_ =	shalt  }
0x7d: {  	_ =	shalt  }
0x7e: {  	_ =	shalt  }
0x7f: {  	_ =	shalt  }
0x80: {  	_ =	shalt  }
0x81: {  	_ =	shalt  }
0x82: {  	_ =	shalt  }
0x83: {  	_ =	shalt  }
0x84: {  	_ =	shalt  }
0x85: {  	_ =	shalt  }
0x86: {  	_ =	shalt  }
0x87: {  	_ =	shalt  }
.Lfunc_end0:
.L_simem_size_0:
called_computation_lowered:
.L_overlay_start_0:
0x88: {  	s2 =	sld [smem:$0x3FD9]  }
0x89: {  	s3 =	sld [smem:$0x3FFE];
	_ =	sdelay $0x1  }
0x8a: {  	s1 =	srdreg.scid  }
0x8b: {  	s0 =	sand.u32 $0x1, s1  }
0x8c: {  	s17 =	sshll.u32 s0, $0xA;
	s2 =	sadd.s32 s3, s2  }
0x8d: {  	s2 =	sadd.s32 s2, s17  }
0x8e: {  	[smem:$0x3FC4] =	sst s2  }
0x8f: {  	_ = 	snop  }
0x90: {  	s2 =	sld [smem:$0x3FC9]  }
0x91: {  	s18 =	sld [smem:$0x3FD0];
	(tm) =	ssettm $0x1  }
0x92: {  	s4 =	sld [smem:$0x3FFB];
	_ =	sdelay $0x3  }
0x93: {  	_ =	strace s4  }
0x94: {  	s4 =	sld [smem:$0x3FFC];
	_ =	sdelay $0x3  }
0x95: {  	_ =	strace s4  }
0x96: {  	s4 =	sld [smem:$0x3FFD];
	_ =	sdelay $0x3  }
0x97: {  	_ =	strace s4  }
0x98: {  	_ =	strace $0x8FFFFFFF  }
0x99: {  	s19 =	sld [smem:$0x3FDB];
	_ =	sdelay $0x1  }
0x9a: {  	s5 =	simm.s32 $_scs_section_size  }
0x9b: {  	s6 =	simm.s32 $_size__tile_overlayer_lowered;
	s7 =	simm.s32 $_tile_overlayer_lowered  }
0x9c: {  	s22 =	simm.s32 $0x1BFF;
	s21 =	sshll.u32 s7, $0x1;
	s4 =	sadd.s32 s5, s19  }
0x9d: {  	s8 =	simm.s32 $0x0;
	s20 =	sshll.u32 s6, $0x1;
	s6 =	sadd.s32 s21, s4  }
0x9e: {  	[timem:s8], [sflag:s22] =	dma.local [hbm:s6], s20  }
0x9f: {  	_ =	swait.ge [sflag:s22], s20  }
0xa0: {  	s5 =	ssub.s32 $0x0, s20;
	[sflag:s22] =	ssyncset.done $0x0  }
0xa1: {  	[sflag:s22] =	ssyncadd.s32 s5;
	_ =	sdelay $0x1  }
0xa2: {  	s23 =	simm.s32 $0x1B8B  }
0xa3: {  	_ =	swait.ge [sflag:s23], $0x1  }
0xa4: {  	[sflag:s23] =	ssyncset.done $0x0  }
0xa5: {  	s25 =	simm.s32 $0x1B8E;
	s24 =	sld [smem:$0x3FFE];
	[sflag:s23] =	ssyncadd.s32 $0xFFFFFFFF  }
0xa6: {  	s26 =	simm.s32 $execute0_lowered;
	[smem:$0x3FD2] =	sst s25  }
0xa7: {  	s6 =	sshll.u32 s26, $0x1;
	_ =	strace $0x80000046;
	[dreg:$0x1] =	wrdreg $0xFFFFFFFF  }
0xa8: {  	s28 =	simm.s32 $_size_execute0_lowered;
	s4 =	sadd.s32 s4, s6;
	[dreg:$0x0] =	wrdreg $0x0  }
0xa9: {  	s6 =	sshll.u32 s28, $0x1;
	[dreg:$0x2] =	wrdreg s4  }
0xaa: {  	[dreg:$0x3] =	wrdreg s6  }
0xab: {  	[dreg:$0x4] =	wrdreg $0xC0  }
0xac: {  	_ =	task [dreg:s8], $0x5FFFF  }
0xad: {  	[dreg:$0x1] =	wrdreg $0xFFFFFFFF  }
0xae: {  	[dreg:$0x0] =	wrdreg $0x60  }
0xaf: {  	[dreg:$0x2] =	wrdreg s2  }
0xb0: {  	[dreg:$0x3] =	wrdreg s24  }
0xb1: {  	[dreg:$0x4] =	wrdreg s18  }
0xb2: {  	[dreg:$0x5] =	wrdreg $0x9  }
0xb3: {  	_ =	task.clear_ibuf [dreg:s8], $0x6FFFF;
	_ =	strace $0x90000046  }
0xb4: {  	s29 =	simm.s32 $0x9;
	_ =	strace $0x80000048  }
0xb5: {  	_ =	swait.ge [sflag:s29], $0x1  }
0xb6: {  	[sflag:s29] =	ssyncadd.s32 $0xFFFFFFFF  }
0xb7: {  	_ =	strace $0x90000048  }
0xb8: {  	_ =	sfence  }
0xb9: {  	s30 =	sld [smem:$0x0];
	_ =	sdelay $0x2  }
0xba: {  	s31 =	sshll.u32 s1, $0xD;
	s1 =	sshrl.u32 s1, $0x2  }
0xbb: {  	s3 =	sand.u32 $0x4000, s31;
	s1 =	sadd.s32 s1, s30  }
0xbc: {  	s0 =	sor.u32 s3, s0;
	s1 =	sshll.u32 s1, $0x11  }
0xbd: {  	s0 =	sor.u32 s1, s0  }
0xbe: {  	s0 =	sadd.s32 $0x8F2B, s0  }
0xbf: {  	[sflag:s0] =	ssyncadd.remote.s32 $0x1  }
0xc0: {  	_ =	sfence.sel $0xFFFF  }
0xc1: {  	[dreg:$0x0] =	wrdreg $0xFFFFFFFF;
	(pc) =	sbr.abs _section_cstart, $3  }
0xc2: {  	[dreg:$0x1] =	wrdreg $0xFFFFFFFF  }
0xc3: {  	_ =	task.clear_ibuf [dreg:s8], $0x2FFFF;
	_ =	strace $0x9FFFFFFF  }
0xc4: {  	(tm) =	ssettm $0x7FFFFFFF  }
0xc5: {  	_ =	shalt  }
tec
execute0_lowered:
.L_overlay_start_1:
0x0: {  	(tag) =	ssettag $0x1  }
0x1: {  	s1 =	rddreg [dreg:$0x0]  }
0x2: {  	s2 =	srdreg.scid;
	s4 =	rddreg [dreg:$0x1]  }
0x3: {  	s6 =	rddreg [dreg:$0x2];
	s5 =	sand.u32 $0x1, s2;
	s2 =	simm.s32 $0x0  }
0x4: {  	s19 =	simm.s32 $0x8000;
	[smem:$0x7FF] =	sst s2  }
0x5: {  	s20 =	simm.s32 $0x1000;
	_ =	strace $0x80000047;
	[dreg:$0x6] =	wrdreg s19  }
0x6: {  	s21 =	simm.s32 $0x1080;
	[dreg:$0x7] =	wrdreg s20  }
0x7: {  	s22 =	simm.s32 $0x100;
	[dreg:$0x8] =	wrdreg s21  }
0x8: {  	s23 =	simm.s32 $0x1100;
	[dreg:$0x9] =	wrdreg s22  }
0x9: {  	s24 =	simm.s32 $0x180;
	[dreg:$0xa] =	wrdreg s23  }
0xa: {  	s25 =	simm.s32 $0x1180;
	[dreg:$0xb] =	wrdreg s24  }
0xb: {  	s0 =	stileid.u32;
	s26 =	simm.s32 $0x200;
	[dreg:$0xc] =	wrdreg s25  }
0xc: {  	s17 =	sshll.u32 s0, $0x1;
	s0 =	simm.s32 $0x1200;
	[dreg:$0xd] =	wrdreg s26  }
0xd: {  	s8 =	simm.s32 $0x300;
	[dreg:$0xe] =	wrdreg s0  }
0xe: {  	s9 =	simm.s32 $0x1300;
	s10 =	simm.s32 $0x380;
	[dreg:$0x11] =	wrdreg s8  }
0xf: {  	s11 =	simm.s32 $0x1380;
	s12 =	simm.s32 $0x1400;
	[dreg:$0x12] =	wrdreg s9  }
0x10: {  	s13 =	simm.s32 $0x480;
	s14 =	simm.s32 $0x1480;
	[dreg:$0x13] =	wrdreg s10  }
0x11: {  	s15 =	simm.s32 $0x500;
	s16 =	simm.s32 $0x1500;
	[dreg:$0x14] =	wrdreg s11  }
0x12: {  	s28 =	simm.s32 $0x1C00;
	s29 =	simm.s32 $0xC80;
	[dreg:$0x15] =	wrdreg s12  }
0x13: {  	s30 =	simm.s32 $0x1C80;
	s31 =	simm.s32 $0x1;
	[dreg:$0x16] =	wrdreg s13  }
0x14: {  	s4 =	sadd.s32 $0x800, s4;
	s7 =	sor.u32 s5, s17;
	[dreg:$0x17] =	wrdreg s14  }
0x15: {  	s17 =	simm.s32 $0x580;
	s5 =	ssub.s32 $0x2, s5;
	[dreg:$0x18] =	wrdreg s15  }
0x16: {  	s3 =	sshll.u32 s7, $0x7;
	s7 =	sshll.u32 s7, $0x4;
	[dreg:$0x19] =	wrdreg s16  }
0x17: {  	[dreg:$0x1a] =	wrdreg s17;
	s19 =	simm.s32 $0x600;
	s20 =	sshrl.u32 s5, $0x1  }
0x18: {  	s21 =	simm.s32 $0x1600;
	s22 =	simm.s32 $0x680;
	s23 =	simm.s32 $0x1680  }
0x19: {  	s24 =	simm.s32 $0x700;
	s25 =	simm.s32 $0x1700;
	s8 =	simm.s32 $0x2  }
0x1a: {  	s26 =	simm.s32 $0x780;
	s9 =	simm.s32 $0x80;
	[dreg:$0x1c] =	wrdreg s19  }
0x1b: {  	s13 =	simm.s32 $0x880;
	s14 =	simm.s32 $0x1880;
	[dreg:$0x1d] =	wrdreg s21  }
0x1c: {  	s15 =	simm.s32 $0x900;
	s16 =	simm.s32 $0x1900;
	[dreg:$0x1e] =	wrdreg s22  }
0x1d: {  	s17 =	simm.s32 $0x980;
	s3 =	sadd.s32 s1, s3;
	[dreg:$0x1f] =	wrdreg s23  }
0x1e: {  	s18 =	sadd.s32 s6, s7;
	s6 =	simm.s32 $0x280;
	[smem:$0x7FB] =	sst s24  }
0x1f: {  	s7 =	simm.s32 $0x1280;
	s5 =	ssub.s32 s5, s20;
	[smem:$0x7FC] =	sst s25  }
0x20: {  	[smem:$0x7FD] =	sst s26;
	s19 =	simm.s32 $0xA00;
	s20 =	simm.s32 $0x1A00  }
0x21: {  	s21 =	simm.s32 $0xA80;
	s22 =	simm.s32 $0x1A80;
	s23 =	simm.s32 $0xB00  }
0x22: {  	s24 =	simm.s32 $0x1B00;
	s25 =	simm.s32 $0xB80;
	[dreg:$0x5] =	wrdreg s18  }
0x23: {  	s26 =	simm.s32 $0x1B80;
	s1 =	sadd.s32 $0x3000, s3;
	[dreg:$0xf] =	wrdreg s6  }
0x24: {  	[dreg:$0x10] =	wrdreg s7;
	s18 =	simm.s32 $0x1580;
	s5 =	smax.u32 s5, $0x1  }
0x25: {  	s6 =	simm.s32 $0x400;
	s7 =	simm.s32 $0xC00;
	[dreg:$0x4] =	wrdreg s1  }
0x26: {  	[dreg:$0x1b] =	wrdreg s18;
	s18 =	simm.s32 $0x1980;
	s1 =	simm.s32 $0x1D00  }
.LBB2_1:
0x27: {  	s0 =	rddreg [dreg:$0x6]  }
0x28: {  	[tilespmem:s2], [sflag:$0x2] =	stream.strided.gather [hbm4b:s3+s6], $0xC00, s0, s6, $0x38;
	[tilespmem:$0x1D80] =	vst v63  }
0x29: {  	s10 =	rddreg [dreg:$0x4]  }
0x2a: {  	[tilespmem:s7], [sflag:$0x2] =	stream.linear.gather [hbm4b:s10+s2], $0x100, $0x38;
	[tilespmem:$0x1D80] =	vst v63  }
0x2b: {  	_ =	swait.ge [sflag:s8], $0xD00  }
0x2c: {  	s11 =	rddreg [dreg:$0x7]  }
0x2d: {  	s12 =	rddreg [dreg:$0x8]  }
0x2e: {  	[sflag:s8] =	ssyncset.done $0x0;
	s0 =	rddreg [dreg:$0x9]  }
0x2f: {  	s10 =	rddreg [dreg:$0xa];
	[sflag:s8] =	ssyncadd.s32 $0xFFFFF300  }
0x30: {  	[tilespmem:s11], [sflag:$0x1] =	stream.indirect.gather [hbm4b:s4+s9], $0x1, s2, s9, $0xb8;
	[tilespmem:$0x1D80] =	vst v63  }
0x31: {  	s11 =	rddreg [dreg:$0xb]  }
0x32: {  	[tilespmem:s12], [sflag:$0x1] =	stream.indirect.gather [hbm4b:s4+s9], $0x1, s9, s9, $0xb8;
	[tilespmem:$0x1D80] =	vst v63  }
0x33: {  	s12 =	rddreg [dreg:$0xc]  }
0x34: {  	[tilespmem:s10], [sflag:$0x1] =	stream.indirect.gather [hbm4b:s4+s9], $0x1, s0, s9, $0xb8;
	[tilespmem:$0x1D80] =	vst v63  }
0x35: {  	s0 =	rddreg [dreg:$0xd]  }
0x36: {  	s10 =	rddreg [dreg:$0xe]  }
0x37: {  	[tilespmem:s12], [sflag:$0x1] =	stream.indirect.gather [hbm4b:s4+s9], $0x1, s11, s9, $0xb8;
	[tilespmem:$0x1D80] =	vst v63  }
0x38: {  	s11 =	rddreg [dreg:$0xf]  }
0x39: {  	s12 =	rddreg [dreg:$0x10]  }
0x3a: {  	[tilespmem:s10], [sflag:$0x1] =	stream.indirect.gather [hbm4b:s4+s9], $0x1, s0, s9, $0xb8;
	[tilespmem:$0x1D80] =	vst v63  }
0x3b: {  	s0 =	rddreg [dreg:$0x11]  }
0x3c: {  	s10 =	rddreg [dreg:$0x12]  }
0x3d: {  	[tilespmem:s12], [sflag:$0x1] =	stream.indirect.gather [hbm4b:s4+s9], $0x1, s11, s9, $0xb8;
	[tilespmem:$0x1D80] =	vst v63  }
0x3e: {  	s11 =	rddreg [dreg:$0x13]  }
0x3f: {  	s12 =	rddreg [dreg:$0x14]  }
0x40: {  	[tilespmem:s10], [sflag:$0x1] =	stream.indirect.gather [hbm4b:s4+s9], $0x1, s0, s9, $0xb8;
	[tilespmem:$0x1D80] =	vst v63  }
0x41: {  	s10 =	rddreg [dreg:$0x15]  }
0x42: {  	s0 =	rddreg [dreg:$0x16]  }
0x43: {  	[tilespmem:s12], [sflag:$0x1] =	stream.indirect.gather [hbm4b:s4+s9], $0x1, s11, s9, $0xb8;
	[tilespmem:$0x1D80] =	vst v63  }
0x44: {  	s11 =	rddreg [dreg:$0x18]  }
0x45: {  	s12 =	rddreg [dreg:$0x19]  }
0x46: {  	[tilespmem:s10], [sflag:$0x1] =	stream.indirect.gather [hbm4b:s4+s9], $0x1, s6, s9, $0xb8;
	[tilespmem:$0x1D80] =	vst v63  }
0x47: {  	s10 =	rddreg [dreg:$0x17]  }
0x48: {  	[tilespmem:s10], [sflag:$0x1] =	stream.indirect.gather [hbm4b:s4+s9], $0x1, s0, s9, $0xb8;
	[tilespmem:$0x1D80] =	vst v63  }
0x49: {  	s0 =	rddreg [dreg:$0x1a]  }
0x4a: {  	s10 =	rddreg [dreg:$0x1b]  }
0x4b: {  	[tilespmem:s12], [sflag:$0x1] =	stream.indirect.gather [hbm4b:s4+s9], $0x1, s11, s9, $0xb8;
	[tilespmem:$0x1D80] =	vst v63  }
0x4c: {  	s11 =	rddreg [dreg:$0x1c]  }
0x4d: {  	s12 =	rddreg [dreg:$0x1d]  }
0x4e: {  	[tilespmem:s10], [sflag:$0x1] =	stream.indirect.gather [hbm4b:s4+s9], $0x1, s0, s9, $0xb8;
	[tilespmem:$0x1D80] =	vst v63  }
0x4f: {  	s0 =	rddreg [dreg:$0x1e]  }
0x50: {  	s10 =	rddreg [dreg:$0x1f]  }
0x51: {  	[tilespmem:s12], [sflag:$0x1] =	stream.indirect.gather [hbm4b:s4+s9], $0x1, s11, s9, $0xb8;
	[tilespmem:$0x1D80] =	vst v63  }
0x52: {  	s11 =	sld [smem:$0x7FB]  }
0x53: {  	s12 =	sld [smem:$0x7FC]  }
0x54: {  	[tilespmem:s10], [sflag:$0x1] =	stream.indirect.gather [hbm4b:s4+s9], $0x1, s0, s9, $0xb8;
	[tilespmem:$0x1D80] =	vst v63  }
0x55: {  	s10 =	sld [smem:$0x7FD]  }
0x56: {  	[tilespmem:s12], [sflag:$0x1] =	stream.indirect.gather [hbm4b:s4+s9], $0x1, s11, s9, $0xb8;
	[tilespmem:$0x1D80] =	vst v63  }
0x57: {  	s12 =	simm.s32 $0x1780  }
0x58: {  	[tilespmem:s12], [sflag:$0x1] =	stream.indirect.gather [hbm4b:s4+s9], $0x1, s10, s9, $0xb8;
	[tilespmem:$0x1D80] =	vst v63  }
0x59: {  	s11 =	simm.s32 $0x1800;
	s10 =	simm.s32 $0x800  }
0x5a: {  	[tilespmem:s11], [sflag:$0x1] =	stream.indirect.gather [hbm4b:s4+s9], $0x1, s10, s9, $0xb8;
	[tilespmem:$0x1D80] =	vst v63  }
0x5b: {  	_ = 	snop  }
0x5c: {  	[tilespmem:s14], [sflag:$0x1] =	stream.indirect.gather [hbm4b:s4+s9], $0x1, s13, s9, $0xb8;
	[tilespmem:$0x1D80] =	vst v63  }
0x5d: {  	_ = 	snop  }
0x5e: {  	[tilespmem:s16], [sflag:$0x1] =	stream.indirect.gather [hbm4b:s4+s9], $0x1, s15, s9, $0xb8;
	[tilespmem:$0x1D80] =	vst v63  }
0x5f: {  	_ = 	snop  }
0x60: {  	[tilespmem:s18], [sflag:$0x1] =	stream.indirect.gather [hbm4b:s4+s9], $0x1, s17, s9, $0xb8;
	[tilespmem:$0x1D80] =	vst v63  }
0x61: {  	_ = 	snop  }
0x62: {  	[tilespmem:s20], [sflag:$0x1] =	stream.indirect.gather [hbm4b:s4+s9], $0x1, s19, s9, $0xb8;
	[tilespmem:$0x1D80] =	vst v63  }
0x63: {  	_ = 	snop  }
0x64: {  	[tilespmem:s22], [sflag:$0x1] =	stream.indirect.gather [hbm4b:s4+s9], $0x1, s21, s9, $0xb8;
	[tilespmem:$0x1D80] =	vst v63  }
0x65: {  	_ = 	snop  }
0x66: {  	[tilespmem:s24], [sflag:$0x1] =	stream.indirect.gather [hbm4b:s4+s9], $0x1, s23, s9, $0xb8;
	[tilespmem:$0x1D80] =	vst v63  }
0x67: {  	_ = 	snop  }
0x68: {  	[tilespmem:s26], [sflag:$0x1] =	stream.indirect.gather [hbm4b:s4+s9], $0x1, s25, s9, $0xb8;
	[tilespmem:$0x1D80] =	vst v63  }
0x69: {  	_ = 	snop  }
0x6a: {  	[tilespmem:s28], [sflag:$0x1] =	stream.indirect.gather [hbm4b:s4+s9], $0x1, s7, s9, $0xb8;
	[tilespmem:$0x1D80] =	vst v63  }
0x6b: {  	_ = 	snop  }
0x6c: {  	[tilespmem:s30], [sflag:$0x1] =	stream.indirect.gather [hbm4b:s4+s9], $0x1, s29, s9, $0xb8;
	[tilespmem:$0x1D80] =	vst v63  }
0x6d: {  	_ =	swait.ge [sflag:s31], $0x80  }
0x6e: {  	[sflag:s31] =	ssyncset.done $0x0  }
0x6f: {  	[sflag:s31] =	ssyncadd.s32 $0xFFFFFF80  }
0x70: {  	_ =	swait.ge [sflag:s31], $0x80  }
0x71: {  	[sflag:s31] =	ssyncset.done $0x0  }
0x72: {  	[sflag:s31] =	ssyncadd.s32 $0xFFFFFF80  }
0x73: {  	_ =	swait.ge [sflag:s31], $0x80  }
0x74: {  	[sflag:s31] =	ssyncset.done $0x0  }
0x75: {  	[sflag:s31] =	ssyncadd.s32 $0xFFFFFF80  }
0x76: {  	_ =	swait.ge [sflag:s31], $0x80  }
0x77: {  	[sflag:s31] =	ssyncset.done $0x0  }
0x78: {  	[sflag:s31] =	ssyncadd.s32 $0xFFFFFF80  }
0x79: {  	_ =	swait.ge [sflag:s31], $0x80  }
0x7a: {  	[sflag:s31] =	ssyncset.done $0x0  }
0x7b: {  	[sflag:s31] =	ssyncadd.s32 $0xFFFFFF80  }
0x7c: {  	_ =	swait.ge [sflag:s31], $0x80  }
0x7d: {  	[sflag:s31] =	ssyncset.done $0x0  }
0x7e: {  	[sflag:s31] =	ssyncadd.s32 $0xFFFFFF80  }
0x7f: {  	_ =	swait.ge [sflag:s31], $0x80  }
0x80: {  	[sflag:s31] =	ssyncset.done $0x0  }
0x81: {  	[sflag:s31] =	ssyncadd.s32 $0xFFFFFF80  }
0x82: {  	_ =	swait.ge [sflag:s31], $0x80  }
0x83: {  	[sflag:s31] =	ssyncset.done $0x0  }
0x84: {  	[sflag:s31] =	ssyncadd.s32 $0xFFFFFF80  }
0x85: {  	_ =	swait.ge [sflag:s31], $0x80  }
0x86: {  	[sflag:s31] =	ssyncset.done $0x0  }
0x87: {  	[sflag:s31] =	ssyncadd.s32 $0xFFFFFF80  }
0x88: {  	_ =	swait.ge [sflag:s31], $0x80  }
0x89: {  	[sflag:s31] =	ssyncset.done $0x0  }
0x8a: {  	[sflag:s31] =	ssyncadd.s32 $0xFFFFFF80  }
0x8b: {  	_ =	swait.ge [sflag:s31], $0x80  }
0x8c: {  	[sflag:s31] =	ssyncset.done $0x0  }
0x8d: {  	[sflag:s31] =	ssyncadd.s32 $0xFFFFFF80  }
0x8e: {  	_ =	swait.ge [sflag:s31], $0x80  }
0x8f: {  	[sflag:s31] =	ssyncset.done $0x0  }
0x90: {  	[sflag:s31] =	ssyncadd.s32 $0xFFFFFF80  }
0x91: {  	_ =	swait.ge [sflag:s31], $0x80  }
0x92: {  	[sflag:s31] =	ssyncset.done $0x0  }
0x93: {  	[sflag:s31] =	ssyncadd.s32 $0xFFFFFF80  }
0x94: {  	_ =	swait.ge [sflag:s31], $0x80  }
0x95: {  	[sflag:s31] =	ssyncset.done $0x0  }
0x96: {  	[sflag:s31] =	ssyncadd.s32 $0xFFFFFF80  }
0x97: {  	_ =	swait.ge [sflag:s31], $0x80  }
0x98: {  	[sflag:s31] =	ssyncset.done $0x0  }
0x99: {  	[sflag:s31] =	ssyncadd.s32 $0xFFFFFF80  }
0x9a: {  	_ =	swait.ge [sflag:s31], $0x80  }
0x9b: {  	[sflag:s31] =	ssyncset.done $0x0  }
0x9c: {  	[sflag:s31] =	ssyncadd.s32 $0xFFFFFF80  }
0x9d: {  	_ =	swait.ge [sflag:s31], $0x80  }
0x9e: {  	[sflag:s31] =	ssyncset.done $0x0  }
0x9f: {  	[sflag:s31] =	ssyncadd.s32 $0xFFFFFF80  }
0xa0: {  	_ =	swait.ge [sflag:s31], $0x80  }
0xa1: {  	[sflag:s31] =	ssyncset.done $0x0  }
0xa2: {  	[sflag:s31] =	ssyncadd.s32 $0xFFFFFF80  }
0xa3: {  	_ =	swait.ge [sflag:s31], $0x80  }
0xa4: {  	[sflag:s31] =	ssyncset.done $0x0  }
0xa5: {  	[sflag:s31] =	ssyncadd.s32 $0xFFFFFF80  }
0xa6: {  	_ =	swait.ge [sflag:s31], $0x80  }
0xa7: {  	[sflag:s31] =	ssyncset.done $0x0  }
0xa8: {  	[sflag:s31] =	ssyncadd.s32 $0xFFFFFF80  }
0xa9: {  	_ =	swait.ge [sflag:s31], $0x80  }
0xaa: {  	[sflag:s31] =	ssyncset.done $0x0  }
0xab: {  	[sflag:s31] =	ssyncadd.s32 $0xFFFFFF80  }
0xac: {  	_ =	swait.ge [sflag:s31], $0x80  }
0xad: {  	[sflag:s31] =	ssyncset.done $0x0  }
0xae: {  	[sflag:s31] =	ssyncadd.s32 $0xFFFFFF80  }
0xaf: {  	_ =	swait.ge [sflag:s31], $0x80  }
0xb0: {  	[sflag:s31] =	ssyncset.done $0x0  }
0xb1: {  	[sflag:s31] =	ssyncadd.s32 $0xFFFFFF80  }
0xb2: {  	_ =	swait.ge [sflag:s31], $0x80  }
0xb3: {  	[sflag:s31] =	ssyncset.done $0x0  }
0xb4: {  	[sflag:s31] =	ssyncadd.s32 $0xFFFFFF80  }
0xb5: {  	_ =	swait.ge [sflag:s31], $0x80  }
0xb6: {  	[sflag:s31] =	ssyncset.done $0x0  }
0xb7: {  	[sflag:s31] =	ssyncadd.s32 $0xFFFFFF80  }
0xb8: {  	_ =	swait.ge [sflag:s31], $0x80  }
0xb9: {  	[sflag:s31] =	ssyncset.done $0x0  }
0xba: {  	[sflag:s31] =	ssyncadd.s32 $0xFFFFFF80  }
0xbb: {  	v35 =	vld [tilespmem:$0x1000]  }
0xbc: {  	v33 =	vld [tilespmem:$0x1080]  }
0xbd: {  	v36 =	vld [tilespmem:$0x1100]  }
0xbe: {  	v40 =	vld [tilespmem:$0x1180]  }
0xbf: {  	v45 =	vld [tilespmem:$0x1200]  }
0xc0: {  	v49 =	vld [tilespmem:$0x1280]  }
0xc1: {  	v52 =	vld [tilespmem:$0x1300]  }
0xc2: {  	v56 =	vld [tilespmem:$0x1380]  }
0xc3: {  	v60 =	vld [tilespmem:$0x1400]  }
0xc4: {  	v0 =	vld [tilespmem:$0x1480]  }
0xc5: {  	v32 =	vld [tilespmem:$0x1500]  }
0xc6: {  	v34 =	vld [tilespmem:$0x1580]  }
0xc7: {  	v37 =	vld [tilespmem:$0x1600]  }
0xc8: {  	v38 =	vld [tilespmem:$0x1680]  }
0xc9: {  	v39 =	vld [tilespmem:$0x1700]  }
0xca: {  	v41 =	vld [tilespmem:$0x1780]  }
0xcb: {  	v42 =	vld [tilespmem:$0x1800]  }
0xcc: {  	v43 =	vld [tilespmem:$0x1880]  }
0xcd: {  	v44 =	vld [tilespmem:$0x1900]  }
0xce: {  	v46 =	vld [tilespmem:$0x1980]  }
0xcf: {  	v47 =	vld [tilespmem:$0x1A00]  }
0xd0: {  	v48 =	vld [tilespmem:$0x1A80]  }
0xd1: {  	v50 =	vld [tilespmem:$0x1B00]  }
0xd2: {  	v51 =	vld [tilespmem:$0x1B80]  }
0xd3: {  	v53 =	vld [tilespmem:$0x1C00]  }
0xd4: {  	v54 =	vld [tilespmem:$0x1C80]  }
0xd5: {  	v26 =	vld [tilespmem:$0x1010]  }
0xd6: {  	v28 =	vld [tilespmem:$0x1090]  }
0xd7: {  	v17 =	vld [tilespmem:$0x1110]  }
0xd8: {  	v21 =	vld [tilespmem:$0x1190]  }
0xd9: {  	v24 =	vld [tilespmem:$0x1210]  }
0xda: {  	v29 =	vld [tilespmem:$0x1290]  }
0xdb: {  	v58 =	vld [tilespmem:$0x1610]  }
0xdc: {  	v63 =	vld [tilespmem:$0x1690]  }
0xdd: {  	v55 =	vld [tilespmem:$0x1710]  }
0xde: {  	v57 =	vld [tilespmem:$0x1790]  }
0xdf: {  	v59 =	vld [tilespmem:$0x1810]  }
0xe0: {  	v61 =	vld [tilespmem:$0x1890]  }
0xe1: {  	v62 =	vld [tilespmem:$0x1910]  }
0xe2: {  	v4 =	vld [tilespmem:$0x1990]  }
0xe3: {  	v5 =	vld [tilespmem:$0x1A10]  }
0xe4: {  	v6 =	vld [tilespmem:$0x1A90]  }
0xe5: {  	v7 =	vld [tilespmem:$0x1B10]  }
0xe6: {  	v8 =	vld [tilespmem:$0x1B90]  }
0xe7: {  	v9 =	vld [tilespmem:$0x1C10]  }
0xe8: {  	v10 =	vld [tilespmem:$0x1C90]  }
0xe9: {  	v19 =	vld [tilespmem:$0x1020]  }
0xea: {  	v12 =	vld [tilespmem:$0x1220]  }
0xeb: {  	v14 =	vld [tilespmem:$0x12A0]  }
0xec: {  	v16 =	vld [tilespmem:$0x1320]  }
0xed: {  	v20 =	vld [tilespmem:$0x13A0]  }
0xee: {  	v23 =	vld [tilespmem:$0x1420]  }
0xef: {  	v27 =	vld [tilespmem:$0x14A0]  }
0xf0: {  	v31 =	vld [tilespmem:$0x1520]  }
0xf1: {  	v11 =	vld [tilespmem:$0x1920]  }
0xf2: {  	v13 =	vld [tilespmem:$0x19A0]  }
0xf3: {  	v15 =	vld [tilespmem:$0x1A20]  }
0xf4: {  	v18 =	vld [tilespmem:$0x1AA0]  }
0xf5: {  	v22 =	vld [tilespmem:$0x1B20]  }
0xf6: {  	v25 =	vld [tilespmem:$0x1BA0]  }
0xf7: {  	v30 =	vld [tilespmem:$0x1C20]  }
0xf8: {  	v1 =	vld [tilespmem:$0x1030]  }
0xf9: {  	v2 =	vld [tilespmem:$0x1130]  }
0xfa: {  	v3 =	vld [tilespmem:$0x11B0]  }
0xfb: {  	[tilespmem:$0x1FC80] =	vst v32;
	v32 =	vld [tilespmem:$0x1310]  }
0xfc: {  	[tilespmem:$0x1FCB0] =	vst v38;
	v38 =	vld [tilespmem:$0x1390]  }
0xfd: {  	[tilespmem:$0x1FD00] =	vst v42;
	v42 =	vld [tilespmem:$0x1410]  }
0xfe: {  	[tilespmem:$0x1FD60] =	vst v46;
	v46 =	vld [tilespmem:$0x1490]  }
0xff: {  	[tilespmem:$0x1FDF0] =	vst v50;
	v50 =	vld [tilespmem:$0x1510]  }
0x100: {  	[tilespmem:$0x1FEA0] =	vst v54;
	v54 =	vld [tilespmem:$0x1590]  }
0x101: {  	[tilespmem:$0x1FDE0] =	vst v6;
	v6 =	vld [tilespmem:$0x10A0]  }
0x102: {  	[tilespmem:$0x1FE40] =	vst v8;
	v8 =	vld [tilespmem:$0x1120]  }
0x103: {  	[tilespmem:$0x1FEC0] =	vst v10;
	v10 =	vld [tilespmem:$0x11A0]  }
0x104: {  	[tilespmem:$0x1FCA0] =	vst v37;
	v37 =	vld [tilespmem:$0x15A0]  }
0x105: {  	[tilespmem:$0x1FCE0] =	vst v41;
	v41 =	vld [tilespmem:$0x1620]  }
0x106: {  	[tilespmem:$0x1FD40] =	vst v44;
	v44 =	vld [tilespmem:$0x16A0]  }
0x107: {  	[tilespmem:$0x1FDC0] =	vst v48;
	v48 =	vld [tilespmem:$0x1720]  }
0x108: {  	[tilespmem:$0x1FE60] =	vst v53;
	v53 =	vld [tilespmem:$0x17A0]  }
0x109: {  	[tilespmem:$0x1FCF0] =	vst v57;
	v57 =	vld [tilespmem:$0x1820]  }
0x10a: {  	[tilespmem:$0x1FD30] =	vst v61;
	v61 =	vld [tilespmem:$0x18A0]  }
0x10b: {  	[tilespmem:$0x1FC90] =	vst v34;
	v34 =	vld [tilespmem:$0x1CA0]  }
0x10c: {  	[tilespmem:$0x1FC70] =	vst v0;
	v0 =	vld [tilespmem:$0x10B0]  }
0x10d: {  	[tilespmem:$0x1FD80] =	vst v4;
	v4 =	vld [tilespmem:$0x1230]  }
0x10e: {  	[tilespmem:$0x1FDB0] =	vst v5;
	v5 =	vld [tilespmem:$0x12B0]  }
0x10f: {  	[tilespmem:$0x1FE10] =	vst v7;
	v7 =	vld [tilespmem:$0x1330]  }
0x110: {  	[tilespmem:$0x1FE80] =	vst v9;
	v9 =	vld [tilespmem:$0x13B0]  }
0x111: {  	[tilespmem:$0x1FD70] =	vst v11;
	v11 =	vld [tilespmem:$0x1430]  }
0x112: {  	[tilespmem:$0x1FDA0] =	vst v13;
	v13 =	vld [tilespmem:$0x14B0]  }
0x113: {  	[tilespmem:$0x1FDD0] =	vst v15;
	v15 =	vld [tilespmem:$0x1530]  }
0x114: {  	[tilespmem:$0x1FE00] =	vst v18;
	v18 =	vld [tilespmem:$0x15B0]  }
0x115: {  	[tilespmem:$0x1FE30] =	vst v22;
	v22 =	vld [tilespmem:$0x1630]  }
0x116: {  	[tilespmem:$0x1FE70] =	vst v25;
	v25 =	vld [tilespmem:$0x16B0]  }
0x117: {  	[tilespmem:$0x1FEB0] =	vst v30;
	v30 =	vld [tilespmem:$0x1730]  }
0x118: {  	[tilespmem:$0x1FCC0] =	vst v39;
	v39 =	vld [tilespmem:$0x1830]  }
0x119: {  	[tilespmem:$0x1FD20] =	vst v43;
	v43 =	vld [tilespmem:$0x18B0]  }
0x11a: {  	[tilespmem:$0x1FD90] =	vst v47;
	v47 =	vld [tilespmem:$0x1930]  }
0x11b: {  	[tilespmem:$0x1FE20] =	vst v51;
	v51 =	vld [tilespmem:$0x19B0]  }
0x11c: {  	[tilespmem:$0x1FCD0] =	vst v55;
	v55 =	vld [tilespmem:$0x1A30]  }
0x11d: {  	[tilespmem:$0x1FD10] =	vst v59;
	v59 =	vld [tilespmem:$0x1AB0]  }
0x11e: {  	[tilespmem:$0x1FD50] =	vst v62;
	v62 =	vld [tilespmem:$0x1B30];
	v35 =	vadd.f32 v33, v35  }
0x11f: {  	v33 =	vld [tilespmem:$0x13C0]  }
0x120: {  	v28 =	vadd.f32 v28, v26;
	v26 =	vld [tilespmem:$0x1440];
	v36 =	vadd.f32 v36, v35  }
0x121: {  	v35 =	vld [tilespmem:$0x14C0]  }
0x122: {  	v36 =	vadd.f32 v40, v36;
	v40 =	vld [tilespmem:$0x15C0]  }
0x123: {  	[tilespmem:$0x1FEE0] =	vst v34;
	v34 =	vld [tilespmem:$0x17B0]  }
0x124: {  	[tilespmem:$0x1FE50] =	vst v62;
	v62 =	vld [tilespmem:$0x1BB0]  }
0x125: {  	v6 =	vadd.f32 v6, v19;
	v19 =	vld [tilespmem:$0x1540]  }
0x126: {  	v0 =	vadd.f32 v0, v1;
	v1 =	vadd.f32 v45, v36;
	v36 =	vld [tilespmem:$0x1740]  }
0x127: {  	v6 =	vadd.f32 v8, v6;
	v8 =	vld [tilespmem:$0x1940]  }
0x128: {  	v1 =	vadd.f32 v49, v1;
	v49 =	vld [tilespmem:$0x1840]  }
0x129: {  	[tilespmem:$0x1FF70] =	vst v40;
	v40 =	vld [tilespmem:$0x17C0]  }
0x12a: {  	v10 =	vadd.f32 v10, v6;
	v6 =	vld [tilespmem:$0x18D0]  }
0x12b: {  	[tilespmem:$0x1FE90] =	vst v62;
	v62 =	vld [tilespmem:$0x1C30]  }
0x12c: {  	v1 =	vadd.f32 v52, v1;
	v52 =	vld [tilespmem:$0x1B40]  }
0x12d: {  	v0 =	vadd.f32 v2, v0;
	v2 =	vadd.f32 v12, v10;
	v10 =	vld [tilespmem:$0x19C0]  }
0x12e: {  	v12 =	vld [tilespmem:$0x1A40]  }
0x12f: {  	[tilespmem:$0x1FF90] =	vst v36;
	v36 =	vld [tilespmem:$0x1FD40]  }
0x130: {  	v0 =	vadd.f32 v3, v0;
	v1 =	vadd.f32 v56, v1;
	v56 =	vld [tilespmem:$0x1AC0]  }
0x131: {  	[tilespmem:$0x1FFD0] =	vst v8;
	v8 =	vld [tilespmem:$0x1850]  }
0x132: {  	v0 =	vadd.f32 v4, v0;
	v2 =	vadd.f32 v14, v2;
	v14 =	vld [tilespmem:$0x1FC70]  }
0x133: {  	[tilespmem:$0x1FFB0] =	vst v49;
	v49 =	vld [tilespmem:$0x1BC0]  }
0x134: {  	v0 =	vadd.f32 v5, v0;
	v5 =	vld [tilespmem:$0x1B50]  }
0x135: {  	[tilespmem:$0x1FFA0] =	vst v40;
	v40 =	vld [tilespmem:$0x1FD80]  }
0x136: {  	v1 =	vadd.f32 v60, v1;
	v60 =	vld [tilespmem:$0x1FE70]  }
0x137: {  	[tilespmem:$0x1FED0] =	vst v62;
	v62 =	vld [tilespmem:$0x1CB0]  }
0x138: {  	v2 =	vadd.f32 v16, v2;
	v16 =	vld [tilespmem:$0x1FC80]  }
0x139: {  	v0 =	vadd.f32 v7, v0;
	v7 =	vld [tilespmem:$0x1BD0]  }
0x13a: {  	[tilespmem:$0x1FFE0] =	vst v10;
	v10 =	vld [tilespmem:$0x17D0]  }
0x13b: {  	[tilespmem:$0x1FFF0] =	vst v12;
	v12 =	vld [tilespmem:$0x1C50]  }
0x13c: {  	v2 =	vadd.f32 v20, v2;
	v20 =	vld [tilespmem:$0x1FC90]  }
0x13d: {  	v0 =	vadd.f32 v9, v0;
	v9 =	vld [tilespmem:$0x1A50]  }
0x13e: {  	[tilespmem:$0x1FF10] =	vst v62;
	v62 =	vld [tilespmem:$0x1040]  }
0x13f: {  	v1 =	vadd.f32 v14, v1;
	v14 =	vld [tilespmem:$0x19D0]  }
0x140: {  	v2 =	vadd.f32 v23, v2;
	v23 =	vld [tilespmem:$0x1FCB0]  }
0x141: {  	v0 =	vadd.f32 v11, v0;
	v11 =	vld [tilespmem:$0x1750]  }
0x142: {  	v1 =	vadd.f32 v16, v1;
	v16 =	vld [tilespmem:$0x1050]  }
0x143: {  	[tilespmem:$0x1FEF0] =	vst v62;
	v62 =	vld [tilespmem:$0x10C0]  }
0x144: {  	v2 =	vadd.f32 v27, v2;
	v27 =	vld [tilespmem:$0x1FCD0]  }
0x145: {  	v0 =	vadd.f32 v13, v0;
	v13 =	vld [tilespmem:$0x1AD0]  }
0x146: {  	v1 =	vadd.f32 v20, v1;
	v20 =	vld [tilespmem:$0x10D0]  }
0x147: {  	v0 =	vadd.f32 v15, v0;
	v15 =	vld [tilespmem:$0x1150]  }
0x148: {  	[tilespmem:$0x1FF00] =	vst v62;
	v62 =	vld [tilespmem:$0x1140]  }
0x149: {  	v2 =	vadd.f32 v31, v2;
	v31 =	vld [tilespmem:$0x1FD10]  }
0x14a: {  	v0 =	vadd.f32 v18, v0;
	v18 =	vld [tilespmem:$0x1250]  }
0x14b: {  	v2 =	vadd.f32 v37, v2;
	v37 =	vld [tilespmem:$0x1FD50]  }
0x14c: {  	v0 =	vadd.f32 v22, v0;
	v22 =	vld [tilespmem:$0x1350]  }
0x14d: {  	[tilespmem:$0x1FF20] =	vst v62;
	v62 =	vld [tilespmem:$0x11C0]  }
0x14e: {  	v2 =	vadd.f32 v41, v2;
	v41 =	vld [tilespmem:$0x1FD90]  }
0x14f: {  	v0 =	vadd.f32 v25, v0;
	v25 =	vld [tilespmem:$0x1450]  }
0x150: {  	v2 =	vadd.f32 v44, v2;
	v44 =	vld [tilespmem:$0x1FDC0]  }
0x151: {  	v0 =	vadd.f32 v30, v0;
	v30 =	vld [tilespmem:$0x1FD00]  }
0x152: {  	[tilespmem:$0x1FF30] =	vst v62;
	v62 =	vld [tilespmem:$0x1240]  }
0x153: {  	v2 =	vadd.f32 v48, v2;
	v48 =	vld [tilespmem:$0x1FDE0]  }
0x154: {  	v0 =	vadd.f32 v34, v0;
	v34 =	vld [tilespmem:$0x1FD30]  }
0x155: {  	v2 =	vadd.f32 v53, v2;
	v53 =	vld [tilespmem:$0x1FE10]  }
0x156: {  	v0 =	vadd.f32 v39, v0;
	v39 =	vld [tilespmem:$0x1FD70]  }
0x157: {  	[tilespmem:$0x1FF40] =	vst v62;
	v62 =	vld [tilespmem:$0x12C0]  }
0x158: {  	v2 =	vadd.f32 v57, v2;
	v57 =	vld [tilespmem:$0x1FE40];
	v0 =	vadd.f32 v43, v0  }
0x159: {  	v43 =	vld [tilespmem:$0x1FDB0]  }
0x15a: {  	v2 =	vadd.f32 v61, v2;
	v61 =	vld [tilespmem:$0x1FE80];
	v0 =	vadd.f32 v47, v0  }
0x15b: {  	v47 =	vld [tilespmem:$0x1FDD0]  }
0x15c: {  	v0 =	vadd.f32 v51, v0;
	[tilespmem:$0x1FF50] =	vst v62;
	v62 =	vld [tilespmem:$0x1340]  }
0x15d: {  	v2 =	vadd.f32 v39, v2;
	v39 =	vld [tilespmem:$0x1070]  }
0x15e: {  	v51 =	vld [tilespmem:$0x1FE00];
	v0 =	vadd.f32 v55, v0  }
0x15f: {  	v17 =	vadd.f32 v17, v28;
	v55 =	vld [tilespmem:$0x1FE30]  }
0x160: {  	v0 =	vadd.f32 v59, v0;
	v59 =	vld [tilespmem:$0x1FE60]  }
0x161: {  	[tilespmem:$0x1FF60] =	vst v62;
	v62 =	vadd.f32 v21, v17;
	v21 =	vld [tilespmem:$0x16C0]  }
0x162: {  	v17 =	vld [tilespmem:$0x1640]  }
0x163: {  	v28 =	vadd.f32 v24, v62;
	v62 =	vld [tilespmem:$0x18C0]  }
0x164: {  	v24 =	vld [tilespmem:$0x1FCC0]  }
0x165: {  	v45 =	vadd.f32 v29, v28;
	v28 =	vld [tilespmem:$0x1FCE0]  }
0x166: {  	[tilespmem:$0x1FF80] =	vst v21;
	v21 =	vld [tilespmem:$0x1FCA0]  }
0x167: {  	v29 =	vld [tilespmem:$0x1FCF0];
	v3 =	vadd.f32 v32, v45  }
0x168: {  	v32 =	vld [tilespmem:$0x1FD20]  }
0x169: {  	[tilespmem:$0x1FFC0] =	vst v62;
	v62 =	vld [tilespmem:$0x1FE90];
	v3 =	vadd.f32 v38, v3  }
0x16a: {  	v38 =	vld [tilespmem:$0x1FD60]  }
0x16b: {  	v3 =	vadd.f32 v42, v3;
	v1 =	vadd.f32 v21, v1;
	v21 =	vld [tilespmem:$0x11D0]  }
0x16c: {  	v42 =	vld [tilespmem:$0x1FDA0]  }
0x16d: {  	v3 =	vadd.f32 v46, v3;
	v46 =	vld [tilespmem:$0x1C40];
	v1 =	vadd.f32 v23, v1  }
0x16e: {  	v23 =	vld [tilespmem:$0x12D0]  }
0x16f: {  	v16 =	vadd.f32 v20, v16;
	v1 =	vadd.f32 v24, v1;
	v24 =	vld [tilespmem:$0x13D0]  }
0x170: {  	v3 =	vadd.f32 v50, v3;
	v50 =	vld [tilespmem:$0x1FDF0]  }
0x171: {  	v15 =	vadd.f32 v15, v16;
	v2 =	vadd.f32 v42, v2;
	v42 =	vld [tilespmem:$0x1660]  }
0x172: {  	v1 =	vadd.f32 v28, v1;
	v28 =	vld [tilespmem:$0x1550]  }
0x173: {  	v15 =	vadd.f32 v21, v15;
	v3 =	vadd.f32 v54, v3;
	v54 =	vld [tilespmem:$0x1FE20]  }
0x174: {  	v2 =	vadd.f32 v47, v2;
	v1 =	vadd.f32 v30, v1;
	v30 =	vld [tilespmem:$0x15D0]  }
0x175: {  	v3 =	vadd.f32 v58, v3;
	v58 =	vld [tilespmem:$0x1FE50]  }
0x176: {  	v15 =	vadd.f32 v18, v15;
	v2 =	vadd.f32 v51, v2;
	v51 =	vld [tilespmem:$0x1FED0]  }
0x177: {  	v3 =	vadd.f32 v63, v3;
	v1 =	vadd.f32 v32, v1;
	v32 =	vld [tilespmem:$0x16D0]  }
0x178: {  	v2 =	vadd.f32 v55, v2;
	v55 =	vld [tilespmem:$0x1FEE0]  }
0x179: {  	v15 =	vadd.f32 v23, v15;
	v3 =	vadd.f32 v27, v3;
	v27 =	vld [tilespmem:$0x14D0]  }
0x17a: {  	v1 =	vadd.f32 v36, v1;
	v36 =	vld [tilespmem:$0x10E0]  }
0x17b: {  	v15 =	vadd.f32 v22, v15;
	v0 =	vadd.f32 v58, v0;
	v58 =	vld [tilespmem:$0x1FF00]  }
0x17c: {  	v2 =	vadd.f32 v60, v2;
	v60 =	vld [tilespmem:$0x1FF10]  }
0x17d: {  	v15 =	vadd.f32 v24, v15;
	v24 =	vld [tilespmem:$0x1FFB0]  }
0x17e: {  	v3 =	vadd.f32 v29, v3;
	v29 =	vld [tilespmem:$0x1950]  }
0x17f: {  	v63 =	vadd.f32 v62, v0;
	v62 =	vld [tilespmem:$0x1FF20]  }
0x180: {  	v1 =	vadd.f32 v38, v1;
	v15 =	vadd.f32 v25, v15;
	v25 =	vld [tilespmem:$0x18F0]  }
0x181: {  	v3 =	vadd.f32 v31, v3;
	v31 =	vld [tilespmem:$0x1650]  }
0x182: {  	v1 =	vadd.f32 v41, v1;
	v15 =	vadd.f32 v27, v15;
	v27 =	vld [tilespmem:$0x1960]  }
0x183: {  	v3 =	vadd.f32 v34, v3;
	v34 =	vld [tilespmem:$0x1060]  }
0x184: {  	v1 =	vadd.f32 v44, v1;
	v44 =	vld [tilespmem:$0x1FEB0]  }
0x185: {  	v15 =	vadd.f32 v28, v15;
	v28 =	vld [tilespmem:$0x1FFC0]  }
0x186: {  	v3 =	vadd.f32 v37, v3;
	v1 =	vadd.f32 v50, v1;
	v50 =	vld [tilespmem:$0x1FEC0]  }
0x187: {  	v15 =	vadd.f32 v30, v15;
	v30 =	vld [tilespmem:$0x1970]  }
0x188: {  	v3 =	vadd.f32 v40, v3;
	v1 =	vadd.f32 v54, v1;
	v54 =	vld [tilespmem:$0x1160]  }
0x189: {  	v40 =	vld [tilespmem:$0x15E0]  }
0x18a: {  	v47 =	vadd.f32 v44, v2;
	v3 =	vadd.f32 v43, v3;
	v43 =	vld [tilespmem:$0x1FEA0]  }
0x18b: {  	v1 =	vadd.f32 v59, v1;
	v59 =	vld [tilespmem:$0x1170]  }
0x18c: {  	v15 =	vadd.f32 v31, v15;
	v2 =	vadd.f32 v55, v47;
	v47 =	vld [tilespmem:$0x1260]  }
0x18d: {  	v34 =	vadd.f32 v36, v34;
	v55 =	vld [tilespmem:$0x1360]  }
0x18e: {  	v15 =	vadd.f32 v32, v15;
	v32 =	vld [tilespmem:$0x19E0];
	v3 =	vadd.f32 v48, v3  }
0x18f: {  	v48 =	vld [tilespmem:$0x10F0]  }
0x190: {  	v34 =	vadd.f32 v54, v34;
	v54 =	vld [tilespmem:$0x12F0];
	v4 =	vadd.f32 v53, v3  }
0x191: {  	v53 =	vadd.f32 v51, v63;
	v63 =	vld [tilespmem:$0x11F0]  }
0x192: {  	v4 =	vadd.f32 v57, v4;
	v57 =	vld [tilespmem:$0x1FEF0]  }
0x193: {  	v51 =	vld [tilespmem:$0x12E0]  }
0x194: {  	v44 =	vadd.f32 v48, v39;
	v48 =	vld [tilespmem:$0x1FF30]  }
0x195: {  	v37 =	vadd.f32 v61, v4;
	v61 =	vld [tilespmem:$0x11E0]  }
0x196: {  	v39 =	vld [tilespmem:$0x1570];
	v4 =	vadd.f32 v43, v1  }
0x197: {  	v1 =	vadd.f32 v60, v53;
	v53 =	vld [tilespmem:$0x1FF40];
	v41 =	vadd.f32 v58, v57  }
0x198: {  	v60 =	vld [tilespmem:$0x1FF60]  }
0x199: {  	v0 =	vadd.f32 v50, v37;
	v50 =	vld [tilespmem:$0x1270];
	v37 =	vadd.f32 v62, v41  }
0x19a: {  	v16 =	vadd.f32 v59, v44;
	v57 =	vld [tilespmem:$0x1FF50];
	v20 =	vadd.f32 v61, v34  }
0x19b: {  	v43 =	vld [tilespmem:$0x1FF70];
	v37 =	vadd.f32 v48, v37  }
0x19c: {  	v59 =	vld [tilespmem:$0x13E0];
	v16 =	vadd.f32 v63, v16;
	v20 =	vadd.f32 v47, v20  }
0x19d: {  	v58 =	vld [tilespmem:$0x1370];
	v37 =	vadd.f32 v53, v37  }
0x19e: {  	v61 =	vld [tilespmem:$0x13F0];
	v16 =	vadd.f32 v50, v16;
	v20 =	vadd.f32 v51, v20  }
0x19f: {  	v62 =	vld [tilespmem:$0x1460];
	v36 =	vadd.f32 v57, v37  }
0x1a0: {  	v63 =	vld [tilespmem:$0x1470];
	v16 =	vadd.f32 v54, v16;
	v18 =	vadd.f32 v55, v20  }
0x1a1: {  	v34 =	vld [tilespmem:$0x14E0];
	v36 =	vadd.f32 v60, v36  }
0x1a2: {  	v16 =	vadd.f32 v58, v16;
	v37 =	vld [tilespmem:$0x1560];
	v18 =	vadd.f32 v59, v18  }
0x1a3: {  	v33 =	vadd.f32 v33, v36;
	v36 =	vld [tilespmem:$0x14F0]  }
0x1a4: {  	v44 =	vld [tilespmem:$0x1670];
	v16 =	vadd.f32 v61, v16;
	v18 =	vadd.f32 v62, v18  }
0x1a5: {  	v41 =	vld [tilespmem:$0x15F0];
	v26 =	vadd.f32 v26, v33  }
0x1a6: {  	v47 =	vld [tilespmem:$0x16E0];
	v16 =	vadd.f32 v63, v16;
	v18 =	vadd.f32 v34, v18  }
0x1a7: {  	v48 =	vld [tilespmem:$0x16F0];
	v38 =	vadd.f32 v35, v26  }
0x1a8: {  	v50 =	vld [tilespmem:$0x1760];
	v18 =	vadd.f32 v37, v18;
	v16 =	vadd.f32 v36, v16  }
0x1a9: {  	v51 =	vld [tilespmem:$0x1FF80];
	v19 =	vadd.f32 v19, v38  }
0x1aa: {  	v53 =	vld [tilespmem:$0x1770];
	v18 =	vadd.f32 v40, v18;
	v16 =	vadd.f32 v39, v16  }
0x1ab: {  	v54 =	vld [tilespmem:$0x17E0];
	v19 =	vadd.f32 v43, v19  }
0x1ac: {  	v55 =	vld [tilespmem:$0x1FF90];
	v18 =	vadd.f32 v42, v18;
	v16 =	vadd.f32 v41, v16  }
0x1ad: {  	v57 =	vld [tilespmem:$0x17F0];
	v17 =	vadd.f32 v17, v19  }
0x1ae: {  	v60 =	vld [tilespmem:$0x1FFA0];
	v18 =	vadd.f32 v47, v18;
	v16 =	vadd.f32 v44, v16  }
0x1af: {  	v11 =	vadd.f32 v11, v15;
	v59 =	vld [tilespmem:$0x1860];
	v17 =	vadd.f32 v51, v17  }
0x1b0: {  	v61 =	vld [tilespmem:$0x1870];
	v18 =	vadd.f32 v50, v18;
	v58 =	vadd.f32 v48, v16  }
0x1b1: {  	v10 =	vadd.f32 v10, v11;
	v63 =	vld [tilespmem:$0x18E0];
	v17 =	vadd.f32 v55, v17  }
0x1b2: {  	v3 =	vld [tilespmem:$0x1CD0];
	v18 =	vadd.f32 v54, v18;
	v62 =	vadd.f32 v53, v58  }
0x1b3: {  	v8 =	vadd.f32 v8, v10;
	v33 =	vld [tilespmem:$0x1FFD0];
	v17 =	vadd.f32 v60, v17  }
0x1b4: {  	v34 =	vld [tilespmem:$0x19F0];
	v16 =	vadd.f32 v59, v18;
	v26 =	vadd.f32 v57, v62  }
0x1b5: {  	v6 =	vadd.f32 v6, v8;
	v35 =	vld [tilespmem:$0x1A60];
	v17 =	vadd.f32 v24, v17  }
0x1b6: {  	v36 =	vld [tilespmem:$0x1FFE0];
	v15 =	vadd.f32 v63, v16;
	v31 =	vadd.f32 v61, v26  }
0x1b7: {  	v6 =	vadd.f32 v29, v6;
	v37 =	vld [tilespmem:$0x1A70];
	v17 =	vadd.f32 v28, v17  }
0x1b8: {  	v39 =	vld [tilespmem:$0x1FFF0];
	v11 =	vadd.f32 v27, v15;
	v8 =	vadd.f32 v25, v31  }
0x1b9: {  	v6 =	vadd.f32 v14, v6;
	v38 =	vld [tilespmem:$0x1AE0];
	v17 =	vadd.f32 v33, v17  }
0x1ba: {  	v40 =	vld [tilespmem:$0x1AF0];
	v10 =	vadd.f32 v32, v11;
	v8 =	vadd.f32 v30, v8  }
0x1bb: {  	v6 =	vadd.f32 v9, v6;
	v41 =	vld [tilespmem:$0x1B60];
	v17 =	vadd.f32 v36, v17  }
0x1bc: {  	v43 =	vld [tilespmem:$0x1B70];
	v10 =	vadd.f32 v35, v10;
	v8 =	vadd.f32 v34, v8  }
0x1bd: {  	v6 =	vadd.f32 v13, v6;
	v44 =	vld [tilespmem:$0x1BE0];
	v17 =	vadd.f32 v39, v17  }
0x1be: {  	v51 =	vld [tilespmem:$0x1C60];
	v10 =	vadd.f32 v38, v10;
	v8 =	vadd.f32 v37, v8  }
0x1bf: {  	v5 =	vadd.f32 v5, v6;
	v48 =	vld [tilespmem:$0x1BF0];
	v42 =	vadd.f32 v56, v17  }
0x1c0: {  	v54 =	vld [tilespmem:$0x1CE0];
	v9 =	vadd.f32 v41, v10;
	v50 =	vadd.f32 v40, v8  }
0x1c1: {  	v5 =	vadd.f32 v7, v5;
	v53 =	vld [tilespmem:$0x1C70];
	v47 =	vadd.f32 v52, v42  }
0x1c2: {  	v45 =	vld [tilespmem:$0x1CC0];
	v9 =	vadd.f32 v44, v9;
	v6 =	vadd.f32 v43, v50  }
0x1c3: {  	[tilespmem:$0x1D20] =	vst v2;
	v57 =	vadd.f32 v12, v5;
	v56 =	vld [tilespmem:$0x1CF0];
	v52 =	vadd.f32 v49, v47  }
0x1c4: {  	[tilespmem:$0x1D00] =	vst v4;
	v60 =	vadd.f32 v51, v9;
	v58 =	vadd.f32 v48, v6  }
0x1c5: {  	[tilespmem:$0x1D10] =	vst v0;
	v0 =	vadd.f32 v3, v57;
	v55 =	vadd.f32 v46, v52  }
0x1c6: {  	[tilespmem:$0x1D30] =	vst v1;
	v62 =	vadd.f32 v54, v60;
	v61 =	vadd.f32 v53, v58  }
0x1c7: {  	[tilespmem:$0x1D50] =	vst v0;
	v59 =	vadd.f32 v45, v55  }
0x1c8: {  	[tilespmem:$0x1D60] =	vst v62;
	v63 =	vadd.f32 v56, v61  }
0x1c9: {  	p0 =	sne.s32 s5, $0x1;
	[tilespmem:$0x1D40] =	vst v59  }
.Ltmp0:
0x1ca: {  	s12 =	rddreg [dreg:$0x5];
	[tilespmem:$0x1D70] =	vst v63;
	(pc) =	sbr.rel @p0 .LBB2_1-.Ltmp0, $4  }
0x1cb: {  	[hbm4b:s12+s2] =	stream.linear.scatter [tilespmem:s1], [sflag:$0x2], $0x80, $0x38;
	[tilespmem:$0x1D80] =	vst v63  }
0x1cc: {  	_ =	swait.ge [sflag:s8], $0x80  }
0x1cd: {  	[sflag:s8] =	ssyncset.done $0x0  }
0x1ce: {  	s5 =	sadd.s32 $0xFFFFFFFF, s5;
	[sflag:s8] =	ssyncadd.s32 $0xFFFFFF80  }
0x1cf: {  	_ =	sfence.sel $0x180000  }
0x1d0: {  	[bflag:$0x0] =	sbarrier.arrive $0xFFFF  }
0x1d1: {  	_ =	strace $0x90000047  }
0x1d2: {  	s0 =	stileid.u32;
	[bflag:$0x2] =	sbarrier.arrive $0xFFFF  }
0x1d3: {  	p0 =	sne.s32 s0, $0x0;
	s0 =	rddreg [dreg:$0x3]  }
0x1d4: {  	s0 =	sadd.s32 @!p0 $0x100000, s0  }
0x1d5: {  	[sflag:s0] =	ssyncadd.tile.s32 @!p0 $0x1;
	_ =	shalt  }
.Lfunc_end2:
_tile_overlayer_lowered:
.L_overlay_start_2:
0x1d6: {  	(tag) =	ssettag $0x2  }
0x1d7: {  	s0 =	rddreg [dreg:$0x0];
	s2 =	stileid.u32  }
0x1d8: {  	s1 =	rddreg [dreg:$0x1];
	p0 =	sne.s32 s2, $0x0  }
0x1d9: {  	s3 =	rddreg [dreg:$0x2];
	[bflag:$0x3] =	sbarrier.arrive $0xFFFF;
	s2 =	simm.s32 @!p0 $0x1C02  }
0x1da: {  	[timem:s3], [sflag:s2] =	dma.local @!p0 [hbm:s0], s1  }
0x1db: {  	s0 =	simm.s32 @!p0 $0x2  }
0x1dc: {  	_ =	swait.ge @!p0 [sflag:s0], s1  }
0x1dd: {  	s1 =	ssub.s32 @!p0 $0x0, s1;
	[sflag:s0] =	ssyncset.done @!p0 $0x0  }
0x1de: {  	[sflag:s0] =	ssyncadd.s32 @!p0 s1  }
0x1df: {  	[bflag:$0x3] =	sbarrier.arrive $0xFFFF  }
0x1e0: {  	_ =	shalt  }

</sc_bundles>
